<compile_context>
chip_gen: v7x
topology: tpu7x:2x2x1
jax: 0.10.2.dev20260603
libtpu: 0.0.44.dev20260713+nightly
codegen_flags: <defaults>
</compile_context>

<pallas_src>
import jax
import jax.numpy as jnp
from jax import lax
from jax.experimental import pallas as pl
from jax.experimental.pallas import tpu as pltpu
from jax.experimental.pallas import tpu_sc as plsc

N = 10000
D = 128
E = 320000

NC = 2
NS = 16
NW = NC * NS
CH = 128
K = -(-(E // NW) // CH)
KA = 92
KB = 65
KMAX = max(KA, KB)
EA = NS * KA * CH
EPB = -(-(E - EA) // NS)
EPW = K * CH
E_PAD = EPW * NW

RPT = -(-(N + 1) // (NS * 8)) * 8
N_ACC = RPT * NS

_MESH = plsc.VectorSubcoreMesh(
    core_axis_name="c", subcore_axis_name="s", num_cores=NC, num_subcores=NS
)


def _agg_body(hn_hbm, srcw, dstw, zacc, parts, src_v, dst_v, rows_v, acc_sh,
              sem):
    c = lax.axis_index("c")
    s = lax.axis_index("s")
    wid = c * NS + s
    r0 = s * RPT
    pltpu.sync_copy(zacc.at[pl.ds(r0, RPT)], acc_sh.at[pl.ds(r0, RPT)])
    pltpu.sync_copy(srcw.at[wid], src_v)
    pltpu.sync_copy(dstw.at[wid], dst_v)
    plsc.subcore_barrier()

    def step(j, carry):
        pltpu.async_copy(hn_hbm.at[src_v.at[j]], rows_v, sem).wait()
        pltpu.sync_copy(rows_v, acc_sh.at[dst_v.at[j]], add=True)
        return carry

    @pl.when(c == 0)
    def _():
        lax.fori_loop(0, KA, step, 0)

    @pl.when(c == 1)
    def _():
        lax.fori_loop(0, KB, step, 0)

    plsc.subcore_barrier()
    pltpu.sync_copy(acc_sh.at[pl.ds(r0, RPT)], parts.at[c, pl.ds(r0, RPT)])


_agg = pl.kernel(
    _agg_body,
    out_type=jax.ShapeDtypeStruct((NC, N_ACC, D), jnp.float32),
    mesh=_MESH,
    scratch_types=[
        pltpu.VMEM((KMAX, CH), jnp.int32),
        pltpu.VMEM((KMAX, CH), jnp.int32),
        pltpu.VMEM((CH, D), jnp.float32),
        pltpu.VMEM_SHARED((N_ACC, D), jnp.float32),
        pltpu.SemaphoreType.DMA,
    ],
)


def _deg_body(dstw, zdeg, ones_hbm, degp, dst_v, ones_v, deg_sh):
    c = lax.axis_index("c")
    s = lax.axis_index("s")
    wid = c * NS + s
    r0 = s * RPT
    pltpu.sync_copy(zdeg.at[pl.ds(r0, RPT)], deg_sh.at[pl.ds(r0, RPT)])
    pltpu.sync_copy(dstw.at[wid], dst_v)
    pltpu.sync_copy(ones_hbm, ones_v)
    plsc.subcore_barrier()

    def step(j, carry):
        pltpu.sync_copy(ones_v, deg_sh.at[dst_v.at[j]], add=True)
        return carry

    lax.fori_loop(0, K, step, 0)
    plsc.subcore_barrier()
    pltpu.sync_copy(deg_sh.at[pl.ds(r0, RPT)], degp.at[c, pl.ds(r0, RPT)])


_deg = pl.kernel(
    _deg_body,
    out_type=jax.ShapeDtypeStruct((NC, N_ACC, D), jnp.float32),
    mesh=_MESH,
    scratch_types=[
        pltpu.VMEM((K, CH), jnp.int32),
        pltpu.VMEM((CH, D), jnp.float32),
        pltpu.VMEM_SHARED((N_ACC, D), jnp.float32),
    ],
)


BM = 400


def _lin2_tc(h_ref, ws_ref, wn_ref, b_ref, hs_ref, hn_ref):
    h = h_ref[...]
    hs_ref[...] = (
        jnp.dot(h, ws_ref[...], preferred_element_type=jnp.float32) + b_ref[...]
    )
    hn_ref[...] = jnp.dot(h, wn_ref[...], preferred_element_type=jnp.float32)


def _lin2(h, Ws, Wn, b):
    return pl.pallas_call(
        _lin2_tc,
        grid=(N // BM,),
        in_specs=[
            pl.BlockSpec((BM, D), lambda i: (i, 0)),
            pl.BlockSpec((D, D), lambda i: (0, 0)),
            pl.BlockSpec((D, D), lambda i: (0, 0)),
            pl.BlockSpec((1, D), lambda i: (0, 0)),
        ],
        out_specs=[
            pl.BlockSpec((BM, D), lambda i: (i, 0)),
            pl.BlockSpec((BM, D), lambda i: (i, 0)),
        ],
        out_shape=[jax.ShapeDtypeStruct((N, D), jnp.float32)] * 2,
    )(h, Ws, Wn, b.reshape(1, D))


def _mean_relu(hs, p0, p1, d0, d1):
    deg = jnp.maximum((d0 + d1)[:, 0:1], 1.0)
    return jnp.maximum(hs + (p0 + p1) / deg, 0.0)


def _comb_lin2_tc(hs_ref, p0_ref, p1_ref, d0_ref, d1_ref, ws_ref, wn_ref, b_ref,
                  h1_ref, hs2_ref, hn2_ref):
    h1 = _mean_relu(hs_ref[...], p0_ref[...], p1_ref[...], d0_ref[...], d1_ref[...])
    h1_ref[...] = h1
    hs2_ref[...] = (
        jnp.dot(h1, ws_ref[...], preferred_element_type=jnp.float32) + b_ref[...]
    )
    hn2_ref[...] = jnp.dot(h1, wn_ref[...], preferred_element_type=jnp.float32)


def _comb_lin2(hs, p0, p1, d0, d1, Ws, Wn, b):
    return pl.pallas_call(
        _comb_lin2_tc,
        grid=(N // BM,),
        in_specs=[
            pl.BlockSpec((BM, D), lambda i: (i, 0)),
            pl.BlockSpec((BM, D), lambda i: (i, 0)),
            pl.BlockSpec((BM, D), lambda i: (i, 0)),
            pl.BlockSpec((BM, D), lambda i: (i, 0)),
            pl.BlockSpec((BM, D), lambda i: (i, 0)),
            pl.BlockSpec((D, D), lambda i: (0, 0)),
            pl.BlockSpec((D, D), lambda i: (0, 0)),
            pl.BlockSpec((1, D), lambda i: (0, 0)),
        ],
        out_specs=[
            pl.BlockSpec((BM, D), lambda i: (i, 0)),
            pl.BlockSpec((BM, D), lambda i: (i, 0)),
            pl.BlockSpec((BM, D), lambda i: (i, 0)),
        ],
        out_shape=[jax.ShapeDtypeStruct((N, D), jnp.float32)] * 3,
    )(hs, p0, p1, d0, d1, Ws, Wn, b.reshape(1, D))


def _comb_tc(hs_ref, p0_ref, p1_ref, d0_ref, d1_ref, out_ref):
    out_ref[...] = _mean_relu(
        hs_ref[...], p0_ref[...], p1_ref[...], d0_ref[...], d1_ref[...]
    )


def _comb(hs, p0, p1, d0, d1):
    return pl.pallas_call(
        _comb_tc,
        grid=(N // BM,),
        in_specs=[
            pl.BlockSpec((BM, D), lambda i: (i, 0)),
            pl.BlockSpec((BM, D), lambda i: (i, 0)),
            pl.BlockSpec((BM, D), lambda i: (i, 0)),
            pl.BlockSpec((BM, D), lambda i: (i, 0)),
            pl.BlockSpec((BM, D), lambda i: (i, 0)),
        ],
        out_specs=pl.BlockSpec((BM, D), lambda i: (i, 0)),
        out_shape=jax.ShapeDtypeStruct((N, D), jnp.float32),
    )(hs, p0, p1, d0, d1)


def kernel(x, edge_index, W1_self, W1_nbr, b1, W2_self, W2_nbr, b2):
    src = edge_index[0].astype(jnp.int32)
    dst = edge_index[1].astype(jnp.int32)

    def _split(v, fill):
        a = jnp.pad(
            v[:EA].reshape(NS, KA, CH),
            ((0, 0), (0, KMAX - KA), (0, 0)),
            constant_values=fill,
        )
        b = jnp.pad(
            v[EA:].reshape(NS, EPB),
            ((0, 0), (0, KMAX * CH - EPB)),
            constant_values=fill,
        ).reshape(NS, KMAX, CH)
        return jnp.concatenate([a, b], axis=0)

    srcw = _split(src, 0)
    dstw = _split(dst, N)
    padd = E_PAD - E
    dstwd = jnp.concatenate([dst, jnp.full((padd,), N, jnp.int32)]).reshape(
        NW, K, CH
    )
    zacc = jnp.zeros((N_ACC, D), jnp.float32)
    ones = jnp.ones((CH, D), jnp.float32)

    hs1, hn1 = _lin2(x, W1_self, W1_nbr, b1)
    degp = _deg(dstwd, zacc, ones)
    hn1, degp = lax.optimization_barrier((hn1, degp))
    parts1 = _agg(hn1, srcw, dstw, zacc)
    d0, d1 = degp[0, :N], degp[1, :N]
    h1, hs2, hn2 = _comb_lin2(
        hs1, parts1[0, :N], parts1[1, :N], d0, d1, W2_self, W2_nbr, b2
    )
    parts2 = _agg(hn2, srcw, dstw, zacc)
    h2 = _comb(hs2, parts2[0, :N], parts2[1, :N], d0, d1)
    return (x, h1, h2)

# --- scband reference (transcript-rebuilt; emitter-appended) ---
"""Pipeline reference for scband-graph-mae2-15298673509103 (READ-ONLY COPY).

The authoritative reference and input builder live on the scoring server;
editing this copy changes nothing except your own understanding.
"""

import jax, jax.numpy as jnp
import numpy as np

N_NODES = 10000
N_EDGES = 320000
D = 128


def setup_inputs(seed: int = 0) -> dict:
    key = jax.random.key(seed)
    k1, k2, k3, k4, k5, k6, k7, k8 = jax.random.split(key, 8)
    x = jax.random.normal(k1, (N_NODES, D), dtype=jnp.float32)
    edge_index = jax.random.randint(k2, (2, N_EDGES), 0, N_NODES).astype(jnp.int64)
    scale = 1.0 / np.sqrt(D)
    W1_self = jax.random.normal(k3, (D, D), dtype=jnp.float32) * scale
    W1_nbr = jax.random.normal(k4, (D, D), dtype=jnp.float32) * scale
    b1 = jnp.zeros((D,), dtype=jnp.float32)
    W2_self = jax.random.normal(k5, (D, D), dtype=jnp.float32) * scale
    W2_nbr = jax.random.normal(k6, (D, D), dtype=jnp.float32) * scale
    b2 = jnp.zeros((D,), dtype=jnp.float32)
    return {
        "x": x,
        "edge_index": edge_index,
        "W1_self": W1_self,
        "W1_nbr": W1_nbr,
        "b1": b1,
        "W2_self": W2_self,
        "W2_nbr": W2_nbr,
        "b2": b2,
    }


def reference(x, edge_index, W1_self, W1_nbr, b1, W2_self, W2_nbr, b2):
    # GraphMAE2.forward (inherited from lrGAE) simply runs the GNN encoder:
    #   return self.encoder(x, edge_index)
    # The encoder is a 2-layer message-passing GNN (GraphConv-style: self
    # transform + mean aggregation of neighbor messages) that returns the
    # list of per-layer representations [x, h1, h2].
    src = edge_index[0]
    dst = edge_index[1]
    n = x.shape[0]

    def layer(h, Ws, Wn, b):
        msg = jnp.take(h, src, axis=0)                      # gather [E, D]
        agg = jax.ops.segment_sum(msg, dst, num_segments=n)  # scatter-add [N, D]
        deg = jax.ops.segment_sum(
            jnp.ones_like(dst, dtype=h.dtype), dst, num_segments=n
        )
        agg = agg / jnp.clip(deg, 1.0, None)[:, None]        # mean aggregation
        return jax.nn.relu(h @ Ws + agg @ Wn + b)

    h1 = layer(x, W1_self, W1_nbr, b1)
    h2 = layer(h1, W2_self, W2_nbr, b2)
    return (x, h1, h2)

if __name__ == "__main__":
    import jax
    _d = setup_inputs()
    print(jax.jit(kernel)(*tuple(_d.values())))

</pallas_src>

<mosaic_0001>
#map = affine_map<(d0, d1) -> (0, 0, 0)>
#map1 = affine_map<(d0, d1) -> (0, 0)>
module attributes {stable_mosaic.version = 14 : i64} {
  func.func @_deg_body(%arg0: i32, %arg1: i32, %arg2: memref<32x79x128xi32, #tpu.memory_space<hbm>>, %arg3: memref<10112x128xf32, #tpu.memory_space<hbm>>, %arg4: memref<128x128xf32, #tpu.memory_space<hbm>>, %arg5: memref<2x10112x128xf32, #tpu.memory_space<hbm>>, %arg6: memref<79x128xi32, #tpu.memory_space<vmem>>, %arg7: memref<128x128xf32, #tpu.memory_space<vmem>>, %arg8: memref<10112x128xf32, #tpu.memory_space<vmem_shared>>) attributes {dimension_semantics = [#tpu.dimension_semantics<core_parallel>, #tpu.dimension_semantics<subcore_parallel>], iteration_bounds = array<i64: 2, 16>, scalar_prefetch = 0 : i64, scratch_operands = 3 : i64, tpu.core_type = #tpu.core_type<sc_vector_subcore>, window_params = [{transform_indices = #map}, {transform_indices = #map1}, {transform_indices = #map1}, {transform_indices = #map}]} {
    %mul3A = arith.constant 16 : i32
    %mul3A_0 = arith.muli %arg0, %mul3A : i32
    %add3A = arith.addi %mul3A_0, %arg1 : i32
    %mul3A_1 = arith.constant 632 : i32
    %mul3A_2 = arith.muli %arg1, %mul3A_1 : i32
    "tpu.region"() ({
      %run_scoped3A = tpu.sem_alloc : memref<!tpu.dma_semaphore, #tpu.memory_space<semaphore_mem>>
      %dma_start3A = arith.constant 0 : i32
      %dma_start3A_9 = tpu.memref_slice %arg8[%mul3A_2, %dma_start3A] : memref<10112x128xf32, #tpu.memory_space<vmem_shared>> -> memref<632x128xf32, #tpu.memory_space<vmem_shared>>
      %dma_start3A_10 = arith.constant 0 : i32
      %dma_start3A_11 = tpu.memref_slice %arg3[%mul3A_2, %dma_start3A_10] : memref<10112x128xf32, #tpu.memory_space<hbm>> -> memref<632x128xf32, #tpu.memory_space<hbm>>
      tpu.enqueue_dma source(%dma_start3A_11 : memref<632x128xf32, #tpu.memory_space<hbm>>) target(%dma_start3A_9 : memref<632x128xf32, #tpu.memory_space<vmem_shared>>) target_semaphore(%run_scoped3A : memref<!tpu.dma_semaphore, #tpu.memory_space<semaphore_mem>>)
      %dma_wait3A = arith.constant 0 : i32
      %dma_wait3A_12 = tpu.memref_slice %arg8[%mul3A_2, %dma_wait3A] : memref<10112x128xf32, #tpu.memory_space<vmem_shared>> -> memref<632x128xf32, #tpu.memory_space<vmem_shared>>
      %dma_wait3A_13 = arith.constant 0 : i32
      %dma_wait3A_14 = tpu.memref_slice %arg3[%mul3A_2, %dma_wait3A_13] : memref<10112x128xf32, #tpu.memory_space<hbm>> -> memref<632x128xf32, #tpu.memory_space<hbm>>
      tpu.wait_dma2 semaphore(%run_scoped3A : memref<!tpu.dma_semaphore, #tpu.memory_space<semaphore_mem>>) src(%dma_wait3A_14 : memref<632x128xf32, #tpu.memory_space<hbm>>) dst(%dma_wait3A_12 : memref<632x128xf32, #tpu.memory_space<vmem_shared>>)
      tpu.yield
    }) : () -> ()
    "tpu.region"() ({
      %run_scoped3A = tpu.sem_alloc : memref<!tpu.dma_semaphore, #tpu.memory_space<semaphore_mem>>
      %dma_start3A = arith.constant 0 : i32
      %dma_start3A_9 = arith.constant 0 : i32
      %dma_start3A_10 = tpu.memref_slice %arg2[%add3A, %dma_start3A, %dma_start3A_9] : memref<32x79x128xi32, #tpu.memory_space<hbm>> -> memref<1x79x128xi32, #tpu.memory_space<hbm>>
      %dma_start3A_11 = tpu.memref_squeeze %dma_start3A_10 : memref<1x79x128xi32, #tpu.memory_space<hbm>> -> memref<79x128xi32, #tpu.memory_space<hbm>>
      %dma_start3A_12 = arith.constant 0 : i32
      %dma_start3A_13 = arith.constant 0 : i32
      %dma_start3A_14 = tpu.memref_slice %arg2[%add3A, %dma_start3A_12, %dma_start3A_13] : memref<32x79x128xi32, #tpu.memory_space<hbm>> -> memref<1x79x128xi32, #tpu.memory_space<hbm>>
      %dma_start3A_15 = tpu.memref_squeeze %dma_start3A_14 : memref<1x79x128xi32, #tpu.memory_space<hbm>> -> memref<79x128xi32, #tpu.memory_space<hbm>>
      tpu.enqueue_dma source(%dma_start3A_15 : memref<79x128xi32, #tpu.memory_space<hbm>>) target(%arg6 : memref<79x128xi32, #tpu.memory_space<vmem>>) target_semaphore(%run_scoped3A : memref<!tpu.dma_semaphore, #tpu.memory_space<semaphore_mem>>)
      %dma_wait3A = arith.constant 0 : i32
      %dma_wait3A_16 = arith.constant 0 : i32
      %dma_wait3A_17 = tpu.memref_slice %arg2[%add3A, %dma_wait3A, %dma_wait3A_16] : memref<32x79x128xi32, #tpu.memory_space<hbm>> -> memref<1x79x128xi32, #tpu.memory_space<hbm>>
      %dma_wait3A_18 = tpu.memref_squeeze %dma_wait3A_17 : memref<1x79x128xi32, #tpu.memory_space<hbm>> -> memref<79x128xi32, #tpu.memory_space<hbm>>
      %dma_wait3A_19 = arith.constant 0 : i32
      %dma_wait3A_20 = arith.constant 0 : i32
      %dma_wait3A_21 = tpu.memref_slice %arg2[%add3A, %dma_wait3A_19, %dma_wait3A_20] : memref<32x79x128xi32, #tpu.memory_space<hbm>> -> memref<1x79x128xi32, #tpu.memory_space<hbm>>
      %dma_wait3A_22 = tpu.memref_squeeze %dma_wait3A_21 : memref<1x79x128xi32, #tpu.memory_space<hbm>> -> memref<79x128xi32, #tpu.memory_space<hbm>>
      tpu.wait_dma2 semaphore(%run_scoped3A : memref<!tpu.dma_semaphore, #tpu.memory_space<semaphore_mem>>) src(%dma_wait3A_22 : memref<79x128xi32, #tpu.memory_space<hbm>>) dst(%arg6 : memref<79x128xi32, #tpu.memory_space<vmem>>)
      tpu.yield
    }) : () -> ()
    "tpu.region"() ({
      %run_scoped3A = tpu.sem_alloc : memref<!tpu.dma_semaphore, #tpu.memory_space<semaphore_mem>>
      tpu.enqueue_dma source(%arg4 : memref<128x128xf32, #tpu.memory_space<hbm>>) target(%arg7 : memref<128x128xf32, #tpu.memory_space<vmem>>) target_semaphore(%run_scoped3A : memref<!tpu.dma_semaphore, #tpu.memory_space<semaphore_mem>>)
      tpu.wait_dma2 semaphore(%run_scoped3A : memref<!tpu.dma_semaphore, #tpu.memory_space<semaphore_mem>>) src(%arg4 : memref<128x128xf32, #tpu.memory_space<hbm>>) dst(%arg7 : memref<128x128xf32, #tpu.memory_space<vmem>>)
      tpu.yield
    }) : () -> ()
    %barrier3A = arith.constant 0 : index
    tpu.barrier barrier_id(%barrier3A)
    %scan3A = arith.constant 0 : i32
    %scan3A_3 = arith.constant 0 : i32
    %scan3A_4 = arith.constant 79 : i32
    %scan3A_5 = arith.addi %scan3A_3, %scan3A_4 : i32
    %scan3A_6 = arith.constant 1 : i32
    scf.for %scan3A_9 = %scan3A_3 to %scan3A_5 step %scan3A_6  : i32 {
      "tpu.region"() ({
        %run_scoped3A = tpu.sem_alloc : memref<!tpu.dma_semaphore, #tpu.memory_space<semaphore_mem>>
        %dma_start3A = arith.constant 0 : i32
        %dma_start3A_10 = tpu.memref_slice %arg6[%scan3A_9, %dma_start3A] : memref<79x128xi32, #tpu.memory_space<vmem>> -> memref<1x128xi32, #tpu.memory_space<vmem>>
        %dma_start3A_11 = tpu.memref_squeeze %dma_start3A_10 : memref<1x128xi32, #tpu.memory_space<vmem>> -> memref<128xi32, #tpu.memory_space<vmem>>
        %dma_start3A_12 = arith.constant 0 : i32
        %dma_start3A_13 = arith.constant 0 : i32
        %dma_start3A_14 = tpu.memref_slice %arg8[%dma_start3A_12, %dma_start3A_13] : memref<10112x128xf32, #tpu.memory_space<vmem_shared>> -> memref<10112x128xf32, #tpu.memory_space<vmem_shared>>
        tpu.enqueue_indirect_dma source(%arg7 : memref<128x128xf32, #tpu.memory_space<vmem>>) target(%dma_start3A_14 : memref<10112x128xf32, #tpu.memory_space<vmem_shared>>) offsets(%dma_start3A_11 : memref<128xi32, #tpu.memory_space<vmem>>) semaphore(%run_scoped3A : memref<!tpu.dma_semaphore, #tpu.memory_space<semaphore_mem>>) {add = true}
        %dma_wait3A = arith.constant 0 : i32
        %dma_wait3A_15 = tpu.memref_slice %arg6[%scan3A_9, %dma_wait3A] : memref<79x128xi32, #tpu.memory_space<vmem>> -> memref<1x128xi32, #tpu.memory_space<vmem>>
        %dma_wait3A_16 = tpu.memref_squeeze %dma_wait3A_15 : memref<1x128xi32, #tpu.memory_space<vmem>> -> memref<128xi32, #tpu.memory_space<vmem>>
        %dma_wait3A_17 = arith.constant 0 : i32
        %dma_wait3A_18 = arith.constant 0 : i32
        %dma_wait3A_19 = tpu.memref_slice %arg8[%dma_wait3A_17, %dma_wait3A_18] : memref<10112x128xf32, #tpu.memory_space<vmem_shared>> -> memref<10112x128xf32, #tpu.memory_space<vmem_shared>>
        tpu.wait_indirect_dma semaphore(%run_scoped3A : memref<!tpu.dma_semaphore, #tpu.memory_space<semaphore_mem>>) src(%arg7 : memref<128x128xf32, #tpu.memory_space<vmem>>) dst(%dma_wait3A_19 : memref<10112x128xf32, #tpu.memory_space<vmem_shared>>)
        tpu.yield
      }) : () -> ()
    }
    %scan3A_7 = arith.constant 79 : i32
    %barrier3A_8 = arith.constant 0 : index
    tpu.barrier barrier_id(%barrier3A_8)
    "tpu.region"() ({
      %run_scoped3A = tpu.sem_alloc : memref<!tpu.dma_semaphore, #tpu.memory_space<semaphore_mem>>
      %dma_start3A = arith.constant 0 : i32
      %dma_start3A_9 = tpu.memref_slice %arg5[%arg0, %mul3A_2, %dma_start3A] : memref<2x10112x128xf32, #tpu.memory_space<hbm>> -> memref<1x632x128xf32, #tpu.memory_space<hbm>>
      %dma_start3A_10 = tpu.memref_squeeze %dma_start3A_9 : memref<1x632x128xf32, #tpu.memory_space<hbm>> -> memref<632x128xf32, #tpu.memory_space<hbm>>
      %dma_start3A_11 = arith.constant 0 : i32
      %dma_start3A_12 = tpu.memref_slice %arg8[%mul3A_2, %dma_start3A_11] : memref<10112x128xf32, #tpu.memory_space<vmem_shared>> -> memref<632x128xf32, #tpu.memory_space<vmem_shared>>
      tpu.enqueue_dma source(%dma_start3A_12 : memref<632x128xf32, #tpu.memory_space<vmem_shared>>) target(%dma_start3A_10 : memref<632x128xf32, #tpu.memory_space<hbm>>) target_semaphore(%run_scoped3A : memref<!tpu.dma_semaphore, #tpu.memory_space<semaphore_mem>>)
      %dma_wait3A = arith.constant 0 : i32
      %dma_wait3A_13 = tpu.memref_slice %arg5[%arg0, %mul3A_2, %dma_wait3A] : memref<2x10112x128xf32, #tpu.memory_space<hbm>> -> memref<1x632x128xf32, #tpu.memory_space<hbm>>
      %dma_wait3A_14 = tpu.memref_squeeze %dma_wait3A_13 : memref<1x632x128xf32, #tpu.memory_space<hbm>> -> memref<632x128xf32, #tpu.memory_space<hbm>>
      %dma_wait3A_15 = arith.constant 0 : i32
      %dma_wait3A_16 = tpu.memref_slice %arg8[%mul3A_2, %dma_wait3A_15] : memref<10112x128xf32, #tpu.memory_space<vmem_shared>> -> memref<632x128xf32, #tpu.memory_space<vmem_shared>>
      tpu.wait_dma2 semaphore(%run_scoped3A : memref<!tpu.dma_semaphore, #tpu.memory_space<semaphore_mem>>) src(%dma_wait3A_16 : memref<632x128xf32, #tpu.memory_space<vmem_shared>>) dst(%dma_wait3A_14 : memref<632x128xf32, #tpu.memory_space<hbm>>)
      tpu.yield
    }) : () -> ()
    return
  }
}

#map = affine_map<(d0, d1) -> (0, 0)>
#map1 = affine_map<(d0, d1) -> (0, 0, 0)>
module attributes {stable_mosaic.version = 14 : i64} {
  func.func @_agg_body(%arg0: i32, %arg1: i32, %arg2: memref<10000x128xf32, #tpu.memory_space<hbm>>, %arg3: memref<32x92x128xi32, #tpu.memory_space<hbm>>, %arg4: memref<32x92x128xi32, #tpu.memory_space<hbm>>, %arg5: memref<10112x128xf32, #tpu.memory_space<hbm>>, %arg6: memref<2x10112x128xf32, #tpu.memory_space<hbm>>, %arg7: memref<92x128xi32, #tpu.memory_space<vmem>>, %arg8: memref<92x128xi32, #tpu.memory_space<vmem>>, %arg9: memref<128x128xf32, #tpu.memory_space<vmem>>, %arg10: memref<10112x128xf32, #tpu.memory_space<vmem_shared>>, %arg11: memref<!tpu.dma_semaphore, #tpu.memory_space<semaphore_mem>>) attributes {dimension_semantics = [#tpu.dimension_semantics<core_parallel>, #tpu.dimension_semantics<subcore_parallel>], iteration_bounds = array<i64: 2, 16>, scalar_prefetch = 0 : i64, scratch_operands = 5 : i64, tpu.core_type = #tpu.core_type<sc_vector_subcore>, window_params = [{transform_indices = #map}, {transform_indices = #map1}, {transform_indices = #map1}, {transform_indices = #map}, {transform_indices = #map1}]} {
    %mul3A = arith.constant 16 : i32
    %mul3A_0 = arith.muli %arg0, %mul3A : i32
    %add3A = arith.addi %mul3A_0, %arg1 : i32
    %mul3A_1 = arith.constant 632 : i32
    %mul3A_2 = arith.muli %arg1, %mul3A_1 : i32
    "tpu.region"() ({
      %run_scoped3A = tpu.sem_alloc : memref<!tpu.dma_semaphore, #tpu.memory_space<semaphore_mem>>
      %dma_start3A = arith.constant 0 : i32
      %dma_start3A_11 = tpu.memref_slice %arg10[%mul3A_2, %dma_start3A] : memref<10112x128xf32, #tpu.memory_space<vmem_shared>> -> memref<632x128xf32, #tpu.memory_space<vmem_shared>>
      %dma_start3A_12 = arith.constant 0 : i32
      %dma_start3A_13 = tpu.memref_slice %arg5[%mul3A_2, %dma_start3A_12] : memref<10112x128xf32, #tpu.memory_space<hbm>> -> memref<632x128xf32, #tpu.memory_space<hbm>>
      tpu.enqueue_dma source(%dma_start3A_13 : memref<632x128xf32, #tpu.memory_space<hbm>>) target(%dma_start3A_11 : memref<632x128xf32, #tpu.memory_space<vmem_shared>>) target_semaphore(%run_scoped3A : memref<!tpu.dma_semaphore, #tpu.memory_space<semaphore_mem>>)
      %dma_wait3A = arith.constant 0 : i32
      %dma_wait3A_14 = tpu.memref_slice %arg10[%mul3A_2, %dma_wait3A] : memref<10112x128xf32, #tpu.memory_space<vmem_shared>> -> memref<632x128xf32, #tpu.memory_space<vmem_shared>>
      %dma_wait3A_15 = arith.constant 0 : i32
      %dma_wait3A_16 = tpu.memref_slice %arg5[%mul3A_2, %dma_wait3A_15] : memref<10112x128xf32, #tpu.memory_space<hbm>> -> memref<632x128xf32, #tpu.memory_space<hbm>>
      tpu.wait_dma2 semaphore(%run_scoped3A : memref<!tpu.dma_semaphore, #tpu.memory_space<semaphore_mem>>) src(%dma_wait3A_16 : memref<632x128xf32, #tpu.memory_space<hbm>>) dst(%dma_wait3A_14 : memref<632x128xf32, #tpu.memory_space<vmem_shared>>)
      tpu.yield
    }) : () -> ()
    "tpu.region"() ({
      %run_scoped3A = tpu.sem_alloc : memref<!tpu.dma_semaphore, #tpu.memory_space<semaphore_mem>>
      %dma_start3A = arith.constant 0 : i32
      %dma_start3A_11 = arith.constant 0 : i32
      %dma_start3A_12 = tpu.memref_slice %arg3[%add3A, %dma_start3A, %dma_start3A_11] : memref<32x92x128xi32, #tpu.memory_space<hbm>> -> memref<1x92x128xi32, #tpu.memory_space<hbm>>
      %dma_start3A_13 = tpu.memref_squeeze %dma_start3A_12 : memref<1x92x128xi32, #tpu.memory_space<hbm>> -> memref<92x128xi32, #tpu.memory_space<hbm>>
      %dma_start3A_14 = arith.constant 0 : i32
      %dma_start3A_15 = arith.constant 0 : i32
      %dma_start3A_16 = tpu.memref_slice %arg3[%add3A, %dma_start3A_14, %dma_start3A_15] : memref<32x92x128xi32, #tpu.memory_space<hbm>> -> memref<1x92x128xi32, #tpu.memory_space<hbm>>
      %dma_start3A_17 = tpu.memref_squeeze %dma_start3A_16 : memref<1x92x128xi32, #tpu.memory_space<hbm>> -> memref<92x128xi32, #tpu.memory_space<hbm>>
      tpu.enqueue_dma source(%dma_start3A_17 : memref<92x128xi32, #tpu.memory_space<hbm>>) target(%arg7 : memref<92x128xi32, #tpu.memory_space<vmem>>) target_semaphore(%run_scoped3A : memref<!tpu.dma_semaphore, #tpu.memory_space<semaphore_mem>>)
      %dma_wait3A = arith.constant 0 : i32
      %dma_wait3A_18 = arith.constant 0 : i32
      %dma_wait3A_19 = tpu.memref_slice %arg3[%add3A, %dma_wait3A, %dma_wait3A_18] : memref<32x92x128xi32, #tpu.memory_space<hbm>> -> memref<1x92x128xi32, #tpu.memory_space<hbm>>
      %dma_wait3A_20 = tpu.memref_squeeze %dma_wait3A_19 : memref<1x92x128xi32, #tpu.memory_space<hbm>> -> memref<92x128xi32, #tpu.memory_space<hbm>>
      %dma_wait3A_21 = arith.constant 0 : i32
      %dma_wait3A_22 = arith.constant 0 : i32
      %dma_wait3A_23 = tpu.memref_slice %arg3[%add3A, %dma_wait3A_21, %dma_wait3A_22] : memref<32x92x128xi32, #tpu.memory_space<hbm>> -> memref<1x92x128xi32, #tpu.memory_space<hbm>>
      %dma_wait3A_24 = tpu.memref_squeeze %dma_wait3A_23 : memref<1x92x128xi32, #tpu.memory_space<hbm>> -> memref<92x128xi32, #tpu.memory_space<hbm>>
      tpu.wait_dma2 semaphore(%run_scoped3A : memref<!tpu.dma_semaphore, #tpu.memory_space<semaphore_mem>>) src(%dma_wait3A_24 : memref<92x128xi32, #tpu.memory_space<hbm>>) dst(%arg7 : memref<92x128xi32, #tpu.memory_space<vmem>>)
      tpu.yield
    }) : () -> ()
    "tpu.region"() ({
      %run_scoped3A = tpu.sem_alloc : memref<!tpu.dma_semaphore, #tpu.memory_space<semaphore_mem>>
      %dma_start3A = arith.constant 0 : i32
      %dma_start3A_11 = arith.constant 0 : i32
      %dma_start3A_12 = tpu.memref_slice %arg4[%add3A, %dma_start3A, %dma_start3A_11] : memref<32x92x128xi32, #tpu.memory_space<hbm>> -> memref<1x92x128xi32, #tpu.memory_space<hbm>>
      %dma_start3A_13 = tpu.memref_squeeze %dma_start3A_12 : memref<1x92x128xi32, #tpu.memory_space<hbm>> -> memref<92x128xi32, #tpu.memory_space<hbm>>
      %dma_start3A_14 = arith.constant 0 : i32
      %dma_start3A_15 = arith.constant 0 : i32
      %dma_start3A_16 = tpu.memref_slice %arg4[%add3A, %dma_start3A_14, %dma_start3A_15] : memref<32x92x128xi32, #tpu.memory_space<hbm>> -> memref<1x92x128xi32, #tpu.memory_space<hbm>>
      %dma_start3A_17 = tpu.memref_squeeze %dma_start3A_16 : memref<1x92x128xi32, #tpu.memory_space<hbm>> -> memref<92x128xi32, #tpu.memory_space<hbm>>
      tpu.enqueue_dma source(%dma_start3A_17 : memref<92x128xi32, #tpu.memory_space<hbm>>) target(%arg8 : memref<92x128xi32, #tpu.memory_space<vmem>>) target_semaphore(%run_scoped3A : memref<!tpu.dma_semaphore, #tpu.memory_space<semaphore_mem>>)
      %dma_wait3A = arith.constant 0 : i32
      %dma_wait3A_18 = arith.constant 0 : i32
      %dma_wait3A_19 = tpu.memref_slice %arg4[%add3A, %dma_wait3A, %dma_wait3A_18] : memref<32x92x128xi32, #tpu.memory_space<hbm>> -> memref<1x92x128xi32, #tpu.memory_space<hbm>>
      %dma_wait3A_20 = tpu.memref_squeeze %dma_wait3A_19 : memref<1x92x128xi32, #tpu.memory_space<hbm>> -> memref<92x128xi32, #tpu.memory_space<hbm>>
      %dma_wait3A_21 = arith.constant 0 : i32
      %dma_wait3A_22 = arith.constant 0 : i32
      %dma_wait3A_23 = tpu.memref_slice %arg4[%add3A, %dma_wait3A_21, %dma_wait3A_22] : memref<32x92x128xi32, #tpu.memory_space<hbm>> -> memref<1x92x128xi32, #tpu.memory_space<hbm>>
      %dma_wait3A_24 = tpu.memref_squeeze %dma_wait3A_23 : memref<1x92x128xi32, #tpu.memory_space<hbm>> -> memref<92x128xi32, #tpu.memory_space<hbm>>
      tpu.wait_dma2 semaphore(%run_scoped3A : memref<!tpu.dma_semaphore, #tpu.memory_space<semaphore_mem>>) src(%dma_wait3A_24 : memref<92x128xi32, #tpu.memory_space<hbm>>) dst(%arg8 : memref<92x128xi32, #tpu.memory_space<vmem>>)
      tpu.yield
    }) : () -> ()
    %barrier3A = arith.constant 0 : index
    tpu.barrier barrier_id(%barrier3A)
    %eq3A = arith.constant 0 : i32
    %eq3A_3 = arith.cmpi eq, %arg0, %eq3A : i32
    %convert_element_type3A = arith.extui %eq3A_3 : i1 to i32
    %cond3A = arith.constant 0 : i32
    %cond3A_4 = arith.cmpi ne, %convert_element_type3A, %cond3A : i32
    scf.if %cond3A_4 {
      %scan3A = arith.constant 0 : i32
      %scan3A_11 = arith.constant 0 : i32
      %scan3A_12 = arith.constant 92 : i32
      %scan3A_13 = arith.addi %scan3A_11, %scan3A_12 : i32
      %scan3A_14 = arith.constant 1 : i32
      scf.for %scan3A_16 = %scan3A_11 to %scan3A_13 step %scan3A_14  : i32 {
        %dma_start3A = arith.constant 0 : i32
        %dma_start3A_17 = tpu.memref_slice %arg7[%scan3A_16, %dma_start3A] : memref<92x128xi32, #tpu.memory_space<vmem>> -> memref<1x128xi32, #tpu.memory_space<vmem>>
        %dma_start3A_18 = tpu.memref_squeeze %dma_start3A_17 : memref<1x128xi32, #tpu.memory_space<vmem>> -> memref<128xi32, #tpu.memory_space<vmem>>
        %dma_start3A_19 = arith.constant 0 : i32
        %dma_start3A_20 = arith.constant 0 : i32
        %dma_start3A_21 = tpu.memref_slice %arg2[%dma_start3A_19, %dma_start3A_20] : memref<10000x128xf32, #tpu.memory_space<hbm>> -> memref<10000x128xf32, #tpu.memory_space<hbm>>
        tpu.enqueue_indirect_dma source(%dma_start3A_21 : memref<10000x128xf32, #tpu.memory_space<hbm>>) target(%arg9 : memref<128x128xf32, #tpu.memory_space<vmem>>) offsets(%dma_start3A_18 : memref<128xi32, #tpu.memory_space<vmem>>) semaphore(%arg11 : memref<!tpu.dma_semaphore, #tpu.memory_space<semaphore_mem>>)
        %dma_wait3A = arith.constant 0 : i32
        %dma_wait3A_22 = tpu.memref_slice %arg7[%scan3A_16, %dma_wait3A] : memref<92x128xi32, #tpu.memory_space<vmem>> -> memref<1x128xi32, #tpu.memory_space<vmem>>
        %dma_wait3A_23 = tpu.memref_squeeze %dma_wait3A_22 : memref<1x128xi32, #tpu.memory_space<vmem>> -> memref<128xi32, #tpu.memory_space<vmem>>
        %dma_wait3A_24 = arith.constant 0 : i32
        %dma_wait3A_25 = arith.constant 0 : i32
        %dma_wait3A_26 = tpu.memref_slice %arg2[%dma_wait3A_24, %dma_wait3A_25] : memref<10000x128xf32, #tpu.memory_space<hbm>> -> memref<10000x128xf32, #tpu.memory_space<hbm>>
        tpu.wait_indirect_dma semaphore(%arg11 : memref<!tpu.dma_semaphore, #tpu.memory_space<semaphore_mem>>) src(%dma_wait3A_26 : memref<10000x128xf32, #tpu.memory_space<hbm>>) dst(%arg9 : memref<128x128xf32, #tpu.memory_space<vmem>>)
        "tpu.region"() ({
          %run_scoped3A = tpu.sem_alloc : memref<!tpu.dma_semaphore, #tpu.memory_space<semaphore_mem>>
          %dma_start3A_27 = arith.constant 0 : i32
          %dma_start3A_28 = tpu.memref_slice %arg8[%scan3A_16, %dma_start3A_27] : memref<92x128xi32, #tpu.memory_space<vmem>> -> memref<1x128xi32, #tpu.memory_space<vmem>>
          %dma_start3A_29 = tpu.memref_squeeze %dma_start3A_28 : memref<1x128xi32, #tpu.memory_space<vmem>> -> memref<128xi32, #tpu.memory_space<vmem>>
          %dma_start3A_30 = arith.constant 0 : i32
          %dma_start3A_31 = arith.constant 0 : i32
          %dma_start3A_32 = tpu.memref_slice %arg10[%dma_start3A_30, %dma_start3A_31] : memref<10112x128xf32, #tpu.memory_space<vmem_shared>> -> memref<10112x128xf32, #tpu.memory_space<vmem_shared>>
          tpu.enqueue_indirect_dma source(%arg9 : memref<128x128xf32, #tpu.memory_space<vmem>>) target(%dma_start3A_32 : memref<10112x128xf32, #tpu.memory_space<vmem_shared>>) offsets(%dma_start3A_29 : memref<128xi32, #tpu.memory_space<vmem>>) semaphore(%run_scoped3A : memref<!tpu.dma_semaphore, #tpu.memory_space<semaphore_mem>>) {add = true}
          %dma_wait3A_33 = arith.constant 0 : i32
          %dma_wait3A_34 = tpu.memref_slice %arg8[%scan3A_16, %dma_wait3A_33] : memref<92x128xi32, #tpu.memory_space<vmem>> -> memref<1x128xi32, #tpu.memory_space<vmem>>
          %dma_wait3A_35 = tpu.memref_squeeze %dma_wait3A_34 : memref<1x128xi32, #tpu.memory_space<vmem>> -> memref<128xi32, #tpu.memory_space<vmem>>
          %dma_wait3A_36 = arith.constant 0 : i32
          %dma_wait3A_37 = arith.constant 0 : i32
          %dma_wait3A_38 = tpu.memref_slice %arg10[%dma_wait3A_36, %dma_wait3A_37] : memref<10112x128xf32, #tpu.memory_space<vmem_shared>> -> memref<10112x128xf32, #tpu.memory_space<vmem_shared>>
          tpu.wait_indirect_dma semaphore(%run_scoped3A : memref<!tpu.dma_semaphore, #tpu.memory_space<semaphore_mem>>) src(%arg9 : memref<128x128xf32, #tpu.memory_space<vmem>>) dst(%dma_wait3A_38 : memref<10112x128xf32, #tpu.memory_space<vmem_shared>>)
          tpu.yield
        }) : () -> ()
      }
      %scan3A_15 = arith.constant 92 : i32
    } else {
    }
    %eq3A_5 = arith.constant 1 : i32
    %eq3A_6 = arith.cmpi eq, %arg0, %eq3A_5 : i32
    %convert_element_type3A_7 = arith.extui %eq3A_6 : i1 to i32
    %cond3A_8 = arith.constant 0 : i32
    %cond3A_9 = arith.cmpi ne, %convert_element_type3A_7, %cond3A_8 : i32
    scf.if %cond3A_9 {
      %scan3A = arith.constant 0 : i32
      %scan3A_11 = arith.constant 0 : i32
      %scan3A_12 = arith.constant 65 : i32
      %scan3A_13 = arith.addi %scan3A_11, %scan3A_12 : i32
      %scan3A_14 = arith.constant 1 : i32
      scf.for %scan3A_16 = %scan3A_11 to %scan3A_13 step %scan3A_14  : i32 {
        %dma_start3A = arith.constant 0 : i32
        %dma_start3A_17 = tpu.memref_slice %arg7[%scan3A_16, %dma_start3A] : memref<92x128xi32, #tpu.memory_space<vmem>> -> memref<1x128xi32, #tpu.memory_space<vmem>>
        %dma_start3A_18 = tpu.memref_squeeze %dma_start3A_17 : memref<1x128xi32, #tpu.memory_space<vmem>> -> memref<128xi32, #tpu.memory_space<vmem>>
        %dma_start3A_19 = arith.constant 0 : i32
        %dma_start3A_20 = arith.constant 0 : i32
        %dma_start3A_21 = tpu.memref_slice %arg2[%dma_start3A_19, %dma_start3A_20] : memref<10000x128xf32, #tpu.memory_space<hbm>> -> memref<10000x128xf32, #tpu.memory_space<hbm>>
        tpu.enqueue_indirect_dma source(%dma_start3A_21 : memref<10000x128xf32, #tpu.memory_space<hbm>>) target(%arg9 : memref<128x128xf32, #tpu.memory_space<vmem>>) offsets(%dma_start3A_18 : memref<128xi32, #tpu.memory_space<vmem>>) semaphore(%arg11 : memref<!tpu.dma_semaphore, #tpu.memory_space<semaphore_mem>>)
        %dma_wait3A = arith.constant 0 : i32
        %dma_wait3A_22 = tpu.memref_slice %arg7[%scan3A_16, %dma_wait3A] : memref<92x128xi32, #tpu.memory_space<vmem>> -> memref<1x128xi32, #tpu.memory_space<vmem>>
        %dma_wait3A_23 = tpu.memref_squeeze %dma_wait3A_22 : memref<1x128xi32, #tpu.memory_space<vmem>> -> memref<128xi32, #tpu.memory_space<vmem>>
        %dma_wait3A_24 = arith.constant 0 : i32
        %dma_wait3A_25 = arith.constant 0 : i32
        %dma_wait3A_26 = tpu.memref_slice %arg2[%dma_wait3A_24, %dma_wait3A_25] : memref<10000x128xf32, #tpu.memory_space<hbm>> -> memref<10000x128xf32, #tpu.memory_space<hbm>>
        tpu.wait_indirect_dma semaphore(%arg11 : memref<!tpu.dma_semaphore, #tpu.memory_space<semaphore_mem>>) src(%dma_wait3A_26 : memref<10000x128xf32, #tpu.memory_space<hbm>>) dst(%arg9 : memref<128x128xf32, #tpu.memory_space<vmem>>)
        "tpu.region"() ({
          %run_scoped3A = tpu.sem_alloc : memref<!tpu.dma_semaphore, #tpu.memory_space<semaphore_mem>>
          %dma_start3A_27 = arith.constant 0 : i32
          %dma_start3A_28 = tpu.memref_slice %arg8[%scan3A_16, %dma_start3A_27] : memref<92x128xi32, #tpu.memory_space<vmem>> -> memref<1x128xi32, #tpu.memory_space<vmem>>
          %dma_start3A_29 = tpu.memref_squeeze %dma_start3A_28 : memref<1x128xi32, #tpu.memory_space<vmem>> -> memref<128xi32, #tpu.memory_space<vmem>>
          %dma_start3A_30 = arith.constant 0 : i32
          %dma_start3A_31 = arith.constant 0 : i32
          %dma_start3A_32 = tpu.memref_slice %arg10[%dma_start3A_30, %dma_start3A_31] : memref<10112x128xf32, #tpu.memory_space<vmem_shared>> -> memref<10112x128xf32, #tpu.memory_space<vmem_shared>>
          tpu.enqueue_indirect_dma source(%arg9 : memref<128x128xf32, #tpu.memory_space<vmem>>) target(%dma_start3A_32 : memref<10112x128xf32, #tpu.memory_space<vmem_shared>>) offsets(%dma_start3A_29 : memref<128xi32, #tpu.memory_space<vmem>>) semaphore(%run_scoped3A : memref<!tpu.dma_semaphore, #tpu.memory_space<semaphore_mem>>) {add = true}
          %dma_wait3A_33 = arith.constant 0 : i32
          %dma_wait3A_34 = tpu.memref_slice %arg8[%scan3A_16, %dma_wait3A_33] : memref<92x128xi32, #tpu.memory_space<vmem>> -> memref<1x128xi32, #tpu.memory_space<vmem>>
          %dma_wait3A_35 = tpu.memref_squeeze %dma_wait3A_34 : memref<1x128xi32, #tpu.memory_space<vmem>> -> memref<128xi32, #tpu.memory_space<vmem>>
          %dma_wait3A_36 = arith.constant 0 : i32
          %dma_wait3A_37 = arith.constant 0 : i32
          %dma_wait3A_38 = tpu.memref_slice %arg10[%dma_wait3A_36, %dma_wait3A_37] : memref<10112x128xf32, #tpu.memory_space<vmem_shared>> -> memref<10112x128xf32, #tpu.memory_space<vmem_shared>>
          tpu.wait_indirect_dma semaphore(%run_scoped3A : memref<!tpu.dma_semaphore, #tpu.memory_space<semaphore_mem>>) src(%arg9 : memref<128x128xf32, #tpu.memory_space<vmem>>) dst(%dma_wait3A_38 : memref<10112x128xf32, #tpu.memory_space<vmem_shared>>)
          tpu.yield
        }) : () -> ()
      }
      %scan3A_15 = arith.constant 65 : i32
    } else {
    }
    %barrier3A_10 = arith.constant 0 : index
    tpu.barrier barrier_id(%barrier3A_10)
    "tpu.region"() ({
      %run_scoped3A = tpu.sem_alloc : memref<!tpu.dma_semaphore, #tpu.memory_space<semaphore_mem>>
      %dma_start3A = arith.constant 0 : i32
      %dma_start3A_11 = tpu.memref_slice %arg6[%arg0, %mul3A_2, %dma_start3A] : memref<2x10112x128xf32, #tpu.memory_space<hbm>> -> memref<1x632x128xf32, #tpu.memory_space<hbm>>
      %dma_start3A_12 = tpu.memref_squeeze %dma_start3A_11 : memref<1x632x128xf32, #tpu.memory_space<hbm>> -> memref<632x128xf32, #tpu.memory_space<hbm>>
      %dma_start3A_13 = arith.constant 0 : i32
      %dma_start3A_14 = tpu.memref_slice %arg10[%mul3A_2, %dma_start3A_13] : memref<10112x128xf32, #tpu.memory_space<vmem_shared>> -> memref<632x128xf32, #tpu.memory_space<vmem_shared>>
      tpu.enqueue_dma source(%dma_start3A_14 : memref<632x128xf32, #tpu.memory_space<vmem_shared>>) target(%dma_start3A_12 : memref<632x128xf32, #tpu.memory_space<hbm>>) target_semaphore(%run_scoped3A : memref<!tpu.dma_semaphore, #tpu.memory_space<semaphore_mem>>)
      %dma_wait3A = arith.constant 0 : i32
      %dma_wait3A_15 = tpu.memref_slice %arg6[%arg0, %mul3A_2, %dma_wait3A] : memref<2x10112x128xf32, #tpu.memory_space<hbm>> -> memref<1x632x128xf32, #tpu.memory_space<hbm>>
      %dma_wait3A_16 = tpu.memref_squeeze %dma_wait3A_15 : memref<1x632x128xf32, #tpu.memory_space<hbm>> -> memref<632x128xf32, #tpu.memory_space<hbm>>
      %dma_wait3A_17 = arith.constant 0 : i32
      %dma_wait3A_18 = tpu.memref_slice %arg10[%mul3A_2, %dma_wait3A_17] : memref<10112x128xf32, #tpu.memory_space<vmem_shared>> -> memref<632x128xf32, #tpu.memory_space<vmem_shared>>
      tpu.wait_dma2 semaphore(%run_scoped3A : memref<!tpu.dma_semaphore, #tpu.memory_space<semaphore_mem>>) src(%dma_wait3A_18 : memref<632x128xf32, #tpu.memory_space<vmem_shared>>) dst(%dma_wait3A_16 : memref<632x128xf32, #tpu.memory_space<hbm>>)
      tpu.yield
    }) : () -> ()
    return
  }
}

#map = affine_map<(d0, d1) -> (0, 0)>
#map1 = affine_map<(d0, d1) -> (0, 0, 0)>
module attributes {stable_mosaic.version = 14 : i64} {
  func.func @_agg_body(%arg0: i32, %arg1: i32, %arg2: memref<10000x128xf32, #tpu.memory_space<hbm>>, %arg3: memref<32x92x128xi32, #tpu.memory_space<hbm>>, %arg4: memref<32x92x128xi32, #tpu.memory_space<hbm>>, %arg5: memref<10112x128xf32, #tpu.memory_space<hbm>>, %arg6: memref<2x10112x128xf32, #tpu.memory_space<hbm>>, %arg7: memref<92x128xi32, #tpu.memory_space<vmem>>, %arg8: memref<92x128xi32, #tpu.memory_space<vmem>>, %arg9: memref<128x128xf32, #tpu.memory_space<vmem>>, %arg10: memref<10112x128xf32, #tpu.memory_space<vmem_shared>>, %arg11: memref<!tpu.dma_semaphore, #tpu.memory_space<semaphore_mem>>) attributes {dimension_semantics = [#tpu.dimension_semantics<core_parallel>, #tpu.dimension_semantics<subcore_parallel>], iteration_bounds = array<i64: 2, 16>, scalar_prefetch = 0 : i64, scratch_operands = 5 : i64, tpu.core_type = #tpu.core_type<sc_vector_subcore>, window_params = [{transform_indices = #map}, {transform_indices = #map1}, {transform_indices = #map1}, {transform_indices = #map}, {transform_indices = #map1}]} {
    %mul3A = arith.constant 16 : i32
    %mul3A_0 = arith.muli %arg0, %mul3A : i32
    %add3A = arith.addi %mul3A_0, %arg1 : i32
    %mul3A_1 = arith.constant 632 : i32
    %mul3A_2 = arith.muli %arg1, %mul3A_1 : i32
    "tpu.region"() ({
      %run_scoped3A = tpu.sem_alloc : memref<!tpu.dma_semaphore, #tpu.memory_space<semaphore_mem>>
      %dma_start3A = arith.constant 0 : i32
      %dma_start3A_11 = tpu.memref_slice %arg10[%mul3A_2, %dma_start3A] : memref<10112x128xf32, #tpu.memory_space<vmem_shared>> -> memref<632x128xf32, #tpu.memory_space<vmem_shared>>
      %dma_start3A_12 = arith.constant 0 : i32
      %dma_start3A_13 = tpu.memref_slice %arg5[%mul3A_2, %dma_start3A_12] : memref<10112x128xf32, #tpu.memory_space<hbm>> -> memref<632x128xf32, #tpu.memory_space<hbm>>
      tpu.enqueue_dma source(%dma_start3A_13 : memref<632x128xf32, #tpu.memory_space<hbm>>) target(%dma_start3A_11 : memref<632x128xf32, #tpu.memory_space<vmem_shared>>) target_semaphore(%run_scoped3A : memref<!tpu.dma_semaphore, #tpu.memory_space<semaphore_mem>>)
      %dma_wait3A = arith.constant 0 : i32
      %dma_wait3A_14 = tpu.memref_slice %arg10[%mul3A_2, %dma_wait3A] : memref<10112x128xf32, #tpu.memory_space<vmem_shared>> -> memref<632x128xf32, #tpu.memory_space<vmem_shared>>
      %dma_wait3A_15 = arith.constant 0 : i32
      %dma_wait3A_16 = tpu.memref_slice %arg5[%mul3A_2, %dma_wait3A_15] : memref<10112x128xf32, #tpu.memory_space<hbm>> -> memref<632x128xf32, #tpu.memory_space<hbm>>
      tpu.wait_dma2 semaphore(%run_scoped3A : memref<!tpu.dma_semaphore, #tpu.memory_space<semaphore_mem>>) src(%dma_wait3A_16 : memref<632x128xf32, #tpu.memory_space<hbm>>) dst(%dma_wait3A_14 : memref<632x128xf32, #tpu.memory_space<vmem_shared>>)
      tpu.yield
    }) : () -> ()
    "tpu.region"() ({
      %run_scoped3A = tpu.sem_alloc : memref<!tpu.dma_semaphore, #tpu.memory_space<semaphore_mem>>
      %dma_start3A = arith.constant 0 : i32
      %dma_start3A_11 = arith.constant 0 : i32
      %dma_start3A_12 = tpu.memref_slice %arg3[%add3A, %dma_start3A, %dma_start3A_11] : memref<32x92x128xi32, #tpu.memory_space<hbm>> -> memref<1x92x128xi32, #tpu.memory_space<hbm>>
      %dma_start3A_13 = tpu.memref_squeeze %dma_start3A_12 : memref<1x92x128xi32, #tpu.memory_space<hbm>> -> memref<92x128xi32, #tpu.memory_space<hbm>>
      %dma_start3A_14 = arith.constant 0 : i32
      %dma_start3A_15 = arith.constant 0 : i32
      %dma_start3A_16 = tpu.memref_slice %arg3[%add3A, %dma_start3A_14, %dma_start3A_15] : memref<32x92x128xi32, #tpu.memory_space<hbm>> -> memref<1x92x128xi32, #tpu.memory_space<hbm>>
      %dma_start3A_17 = tpu.memref_squeeze %dma_start3A_16 : memref<1x92x128xi32, #tpu.memory_space<hbm>> -> memref<92x128xi32, #tpu.memory_space<hbm>>
      tpu.enqueue_dma source(%dma_start3A_17 : memref<92x128xi32, #tpu.memory_space<hbm>>) target(%arg7 : memref<92x128xi32, #tpu.memory_space<vmem>>) target_semaphore(%run_scoped3A : memref<!tpu.dma_semaphore, #tpu.memory_space<semaphore_mem>>)
      %dma_wait3A = arith.constant 0 : i32
      %dma_wait3A_18 = arith.constant 0 : i32
      %dma_wait3A_19 = tpu.memref_slice %arg3[%add3A, %dma_wait3A, %dma_wait3A_18] : memref<32x92x128xi32, #tpu.memory_space<hbm>> -> memref<1x92x128xi32, #tpu.memory_space<hbm>>
      %dma_wait3A_20 = tpu.memref_squeeze %dma_wait3A_19 : memref<1x92x128xi32, #tpu.memory_space<hbm>> -> memref<92x128xi32, #tpu.memory_space<hbm>>
      %dma_wait3A_21 = arith.constant 0 : i32
      %dma_wait3A_22 = arith.constant 0 : i32
      %dma_wait3A_23 = tpu.memref_slice %arg3[%add3A, %dma_wait3A_21, %dma_wait3A_22] : memref<32x92x128xi32, #tpu.memory_space<hbm>> -> memref<1x92x128xi32, #tpu.memory_space<hbm>>
      %dma_wait3A_24 = tpu.memref_squeeze %dma_wait3A_23 : memref<1x92x128xi32, #tpu.memory_space<hbm>> -> memref<92x128xi32, #tpu.memory_space<hbm>>
      tpu.wait_dma2 semaphore(%run_scoped3A : memref<!tpu.dma_semaphore, #tpu.memory_space<semaphore_mem>>) src(%dma_wait3A_24 : memref<92x128xi32, #tpu.memory_space<hbm>>) dst(%arg7 : memref<92x128xi32, #tpu.memory_space<vmem>>)
      tpu.yield
    }) : () -> ()
    "tpu.region"() ({
      %run_scoped3A = tpu.sem_alloc : memref<!tpu.dma_semaphore, #tpu.memory_space<semaphore_mem>>
      %dma_start3A = arith.constant 0 : i32
      %dma_start3A_11 = arith.constant 0 : i32
      %dma_start3A_12 = tpu.memref_slice %arg4[%add3A, %dma_start3A, %dma_start3A_11] : memref<32x92x128xi32, #tpu.memory_space<hbm>> -> memref<1x92x128xi32, #tpu.memory_space<hbm>>
      %dma_start3A_13 = tpu.memref_squeeze %dma_start3A_12 : memref<1x92x128xi32, #tpu.memory_space<hbm>> -> memref<92x128xi32, #tpu.memory_space<hbm>>
      %dma_start3A_14 = arith.constant 0 : i32
      %dma_start3A_15 = arith.constant 0 : i32
      %dma_start3A_16 = tpu.memref_slice %arg4[%add3A, %dma_start3A_14, %dma_start3A_15] : memref<32x92x128xi32, #tpu.memory_space<hbm>> -> memref<1x92x128xi32, #tpu.memory_space<hbm>>
      %dma_start3A_17 = tpu.memref_squeeze %dma_start3A_16 : memref<1x92x128xi32, #tpu.memory_space<hbm>> -> memref<92x128xi32, #tpu.memory_space<hbm>>
      tpu.enqueue_dma source(%dma_start3A_17 : memref<92x128xi32, #tpu.memory_space<hbm>>) target(%arg8 : memref<92x128xi32, #tpu.memory_space<vmem>>) target_semaphore(%run_scoped3A : memref<!tpu.dma_semaphore, #tpu.memory_space<semaphore_mem>>)
      %dma_wait3A = arith.constant 0 : i32
      %dma_wait3A_18 = arith.constant 0 : i32
      %dma_wait3A_19 = tpu.memref_slice %arg4[%add3A, %dma_wait3A, %dma_wait3A_18] : memref<32x92x128xi32, #tpu.memory_space<hbm>> -> memref<1x92x128xi32, #tpu.memory_space<hbm>>
      %dma_wait3A_20 = tpu.memref_squeeze %dma_wait3A_19 : memref<1x92x128xi32, #tpu.memory_space<hbm>> -> memref<92x128xi32, #tpu.memory_space<hbm>>
      %dma_wait3A_21 = arith.constant 0 : i32
      %dma_wait3A_22 = arith.constant 0 : i32
      %dma_wait3A_23 = tpu.memref_slice %arg4[%add3A, %dma_wait3A_21, %dma_wait3A_22] : memref<32x92x128xi32, #tpu.memory_space<hbm>> -> memref<1x92x128xi32, #tpu.memory_space<hbm>>
      %dma_wait3A_24 = tpu.memref_squeeze %dma_wait3A_23 : memref<1x92x128xi32, #tpu.memory_space<hbm>> -> memref<92x128xi32, #tpu.memory_space<hbm>>
      tpu.wait_dma2 semaphore(%run_scoped3A : memref<!tpu.dma_semaphore, #tpu.memory_space<semaphore_mem>>) src(%dma_wait3A_24 : memref<92x128xi32, #tpu.memory_space<hbm>>) dst(%arg8 : memref<92x128xi32, #tpu.memory_space<vmem>>)
      tpu.yield
    }) : () -> ()
    %barrier3A = arith.constant 0 : index
    tpu.barrier barrier_id(%barrier3A)
    %eq3A = arith.constant 0 : i32
    %eq3A_3 = arith.cmpi eq, %arg0, %eq3A : i32
    %convert_element_type3A = arith.extui %eq3A_3 : i1 to i32
    %cond3A = arith.constant 0 : i32
    %cond3A_4 = arith.cmpi ne, %convert_element_type3A, %cond3A : i32
    scf.if %cond3A_4 {
      %scan3A = arith.constant 0 : i32
      %scan3A_11 = arith.constant 0 : i32
      %scan3A_12 = arith.constant 92 : i32
      %scan3A_13 = arith.addi %scan3A_11, %scan3A_12 : i32
      %scan3A_14 = arith.constant 1 : i32
      scf.for %scan3A_16 = %scan3A_11 to %scan3A_13 step %scan3A_14  : i32 {
        %dma_start3A = arith.constant 0 : i32
        %dma_start3A_17 = tpu.memref_slice %arg7[%scan3A_16, %dma_start3A] : memref<92x128xi32, #tpu.memory_space<vmem>> -> memref<1x128xi32, #tpu.memory_space<vmem>>
        %dma_start3A_18 = tpu.memref_squeeze %dma_start3A_17 : memref<1x128xi32, #tpu.memory_space<vmem>> -> memref<128xi32, #tpu.memory_space<vmem>>
        %dma_start3A_19 = arith.constant 0 : i32
        %dma_start3A_20 = arith.constant 0 : i32
        %dma_start3A_21 = tpu.memref_slice %arg2[%dma_start3A_19, %dma_start3A_20] : memref<10000x128xf32, #tpu.memory_space<hbm>> -> memref<10000x128xf32, #tpu.memory_space<hbm>>
        tpu.enqueue_indirect_dma source(%dma_start3A_21 : memref<10000x128xf32, #tpu.memory_space<hbm>>) target(%arg9 : memref<128x128xf32, #tpu.memory_space<vmem>>) offsets(%dma_start3A_18 : memref<128xi32, #tpu.memory_space<vmem>>) semaphore(%arg11 : memref<!tpu.dma_semaphore, #tpu.memory_space<semaphore_mem>>)
        %dma_wait3A = arith.constant 0 : i32
        %dma_wait3A_22 = tpu.memref_slice %arg7[%scan3A_16, %dma_wait3A] : memref<92x128xi32, #tpu.memory_space<vmem>> -> memref<1x128xi32, #tpu.memory_space<vmem>>
        %dma_wait3A_23 = tpu.memref_squeeze %dma_wait3A_22 : memref<1x128xi32, #tpu.memory_space<vmem>> -> memref<128xi32, #tpu.memory_space<vmem>>
        %dma_wait3A_24 = arith.constant 0 : i32
        %dma_wait3A_25 = arith.constant 0 : i32
        %dma_wait3A_26 = tpu.memref_slice %arg2[%dma_wait3A_24, %dma_wait3A_25] : memref<10000x128xf32, #tpu.memory_space<hbm>> -> memref<10000x128xf32, #tpu.memory_space<hbm>>
        tpu.wait_indirect_dma semaphore(%arg11 : memref<!tpu.dma_semaphore, #tpu.memory_space<semaphore_mem>>) src(%dma_wait3A_26 : memref<10000x128xf32, #tpu.memory_space<hbm>>) dst(%arg9 : memref<128x128xf32, #tpu.memory_space<vmem>>)
        "tpu.region"() ({
          %run_scoped3A = tpu.sem_alloc : memref<!tpu.dma_semaphore, #tpu.memory_space<semaphore_mem>>
          %dma_start3A_27 = arith.constant 0 : i32
          %dma_start3A_28 = tpu.memref_slice %arg8[%scan3A_16, %dma_start3A_27] : memref<92x128xi32, #tpu.memory_space<vmem>> -> memref<1x128xi32, #tpu.memory_space<vmem>>
          %dma_start3A_29 = tpu.memref_squeeze %dma_start3A_28 : memref<1x128xi32, #tpu.memory_space<vmem>> -> memref<128xi32, #tpu.memory_space<vmem>>
          %dma_start3A_30 = arith.constant 0 : i32
          %dma_start3A_31 = arith.constant 0 : i32
          %dma_start3A_32 = tpu.memref_slice %arg10[%dma_start3A_30, %dma_start3A_31] : memref<10112x128xf32, #tpu.memory_space<vmem_shared>> -> memref<10112x128xf32, #tpu.memory_space<vmem_shared>>
          tpu.enqueue_indirect_dma source(%arg9 : memref<128x128xf32, #tpu.memory_space<vmem>>) target(%dma_start3A_32 : memref<10112x128xf32, #tpu.memory_space<vmem_shared>>) offsets(%dma_start3A_29 : memref<128xi32, #tpu.memory_space<vmem>>) semaphore(%run_scoped3A : memref<!tpu.dma_semaphore, #tpu.memory_space<semaphore_mem>>) {add = true}
          %dma_wait3A_33 = arith.constant 0 : i32
          %dma_wait3A_34 = tpu.memref_slice %arg8[%scan3A_16, %dma_wait3A_33] : memref<92x128xi32, #tpu.memory_space<vmem>> -> memref<1x128xi32, #tpu.memory_space<vmem>>
          %dma_wait3A_35 = tpu.memref_squeeze %dma_wait3A_34 : memref<1x128xi32, #tpu.memory_space<vmem>> -> memref<128xi32, #tpu.memory_space<vmem>>
          %dma_wait3A_36 = arith.constant 0 : i32
          %dma_wait3A_37 = arith.constant 0 : i32
          %dma_wait3A_38 = tpu.memref_slice %arg10[%dma_wait3A_36, %dma_wait3A_37] : memref<10112x128xf32, #tpu.memory_space<vmem_shared>> -> memref<10112x128xf32, #tpu.memory_space<vmem_shared>>
          tpu.wait_indirect_dma semaphore(%run_scoped3A : memref<!tpu.dma_semaphore, #tpu.memory_space<semaphore_mem>>) src(%arg9 : memref<128x128xf32, #tpu.memory_space<vmem>>) dst(%dma_wait3A_38 : memref<10112x128xf32, #tpu.memory_space<vmem_shared>>)
          tpu.yield
        }) : () -> ()
      }
      %scan3A_15 = arith.constant 92 : i32
    } else {
    }
    %eq3A_5 = arith.constant 1 : i32
    %eq3A_6 = arith.cmpi eq, %arg0, %eq3A_5 : i32
    %convert_element_type3A_7 = arith.extui %eq3A_6 : i1 to i32
    %cond3A_8 = arith.constant 0 : i32
    %cond3A_9 = arith.cmpi ne, %convert_element_type3A_7, %cond3A_8 : i32
    scf.if %cond3A_9 {
      %scan3A = arith.constant 0 : i32
      %scan3A_11 = arith.constant 0 : i32
      %scan3A_12 = arith.constant 65 : i32
      %scan3A_13 = arith.addi %scan3A_11, %scan3A_12 : i32
      %scan3A_14 = arith.constant 1 : i32
      scf.for %scan3A_16 = %scan3A_11 to %scan3A_13 step %scan3A_14  : i32 {
        %dma_start3A = arith.constant 0 : i32
        %dma_start3A_17 = tpu.memref_slice %arg7[%scan3A_16, %dma_start3A] : memref<92x128xi32, #tpu.memory_space<vmem>> -> memref<1x128xi32, #tpu.memory_space<vmem>>
        %dma_start3A_18 = tpu.memref_squeeze %dma_start3A_17 : memref<1x128xi32, #tpu.memory_space<vmem>> -> memref<128xi32, #tpu.memory_space<vmem>>
        %dma_start3A_19 = arith.constant 0 : i32
        %dma_start3A_20 = arith.constant 0 : i32
        %dma_start3A_21 = tpu.memref_slice %arg2[%dma_start3A_19, %dma_start3A_20] : memref<10000x128xf32, #tpu.memory_space<hbm>> -> memref<10000x128xf32, #tpu.memory_space<hbm>>
        tpu.enqueue_indirect_dma source(%dma_start3A_21 : memref<10000x128xf32, #tpu.memory_space<hbm>>) target(%arg9 : memref<128x128xf32, #tpu.memory_space<vmem>>) offsets(%dma_start3A_18 : memref<128xi32, #tpu.memory_space<vmem>>) semaphore(%arg11 : memref<!tpu.dma_semaphore, #tpu.memory_space<semaphore_mem>>)
        %dma_wait3A = arith.constant 0 : i32
        %dma_wait3A_22 = tpu.memref_slice %arg7[%scan3A_16, %dma_wait3A] : memref<92x128xi32, #tpu.memory_space<vmem>> -> memref<1x128xi32, #tpu.memory_space<vmem>>
        %dma_wait3A_23 = tpu.memref_squeeze %dma_wait3A_22 : memref<1x128xi32, #tpu.memory_space<vmem>> -> memref<128xi32, #tpu.memory_space<vmem>>
        %dma_wait3A_24 = arith.constant 0 : i32
        %dma_wait3A_25 = arith.constant 0 : i32
        %dma_wait3A_26 = tpu.memref_slice %arg2[%dma_wait3A_24, %dma_wait3A_25] : memref<10000x128xf32, #tpu.memory_space<hbm>> -> memref<10000x128xf32, #tpu.memory_space<hbm>>
        tpu.wait_indirect_dma semaphore(%arg11 : memref<!tpu.dma_semaphore, #tpu.memory_space<semaphore_mem>>) src(%dma_wait3A_26 : memref<10000x128xf32, #tpu.memory_space<hbm>>) dst(%arg9 : memref<128x128xf32, #tpu.memory_space<vmem>>)
        "tpu.region"() ({
          %run_scoped3A = tpu.sem_alloc : memref<!tpu.dma_semaphore, #tpu.memory_space<semaphore_mem>>
          %dma_start3A_27 = arith.constant 0 : i32
          %dma_start3A_28 = tpu.memref_slice %arg8[%scan3A_16, %dma_start3A_27] : memref<92x128xi32, #tpu.memory_space<vmem>> -> memref<1x128xi32, #tpu.memory_space<vmem>>
          %dma_start3A_29 = tpu.memref_squeeze %dma_start3A_28 : memref<1x128xi32, #tpu.memory_space<vmem>> -> memref<128xi32, #tpu.memory_space<vmem>>
          %dma_start3A_30 = arith.constant 0 : i32
          %dma_start3A_31 = arith.constant 0 : i32
          %dma_start3A_32 = tpu.memref_slice %arg10[%dma_start3A_30, %dma_start3A_31] : memref<10112x128xf32, #tpu.memory_space<vmem_shared>> -> memref<10112x128xf32, #tpu.memory_space<vmem_shared>>
          tpu.enqueue_indirect_dma source(%arg9 : memref<128x128xf32, #tpu.memory_space<vmem>>) target(%dma_start3A_32 : memref<10112x128xf32, #tpu.memory_space<vmem_shared>>) offsets(%dma_start3A_29 : memref<128xi32, #tpu.memory_space<vmem>>) semaphore(%run_scoped3A : memref<!tpu.dma_semaphore, #tpu.memory_space<semaphore_mem>>) {add = true}
          %dma_wait3A_33 = arith.constant 0 : i32
          %dma_wait3A_34 = tpu.memref_slice %arg8[%scan3A_16, %dma_wait3A_33] : memref<92x128xi32, #tpu.memory_space<vmem>> -> memref<1x128xi32, #tpu.memory_space<vmem>>
          %dma_wait3A_35 = tpu.memref_squeeze %dma_wait3A_34 : memref<1x128xi32, #tpu.memory_space<vmem>> -> memref<128xi32, #tpu.memory_space<vmem>>
          %dma_wait3A_36 = arith.constant 0 : i32
          %dma_wait3A_37 = arith.constant 0 : i32
          %dma_wait3A_38 = tpu.memref_slice %arg10[%dma_wait3A_36, %dma_wait3A_37] : memref<10112x128xf32, #tpu.memory_space<vmem_shared>> -> memref<10112x128xf32, #tpu.memory_space<vmem_shared>>
          tpu.wait_indirect_dma semaphore(%run_scoped3A : memref<!tpu.dma_semaphore, #tpu.memory_space<semaphore_mem>>) src(%arg9 : memref<128x128xf32, #tpu.memory_space<vmem>>) dst(%dma_wait3A_38 : memref<10112x128xf32, #tpu.memory_space<vmem_shared>>)
          tpu.yield
        }) : () -> ()
      }
      %scan3A_15 = arith.constant 65 : i32
    } else {
    }
    %barrier3A_10 = arith.constant 0 : index
    tpu.barrier barrier_id(%barrier3A_10)
    "tpu.region"() ({
      %run_scoped3A = tpu.sem_alloc : memref<!tpu.dma_semaphore, #tpu.memory_space<semaphore_mem>>
      %dma_start3A = arith.constant 0 : i32
      %dma_start3A_11 = tpu.memref_slice %arg6[%arg0, %mul3A_2, %dma_start3A] : memref<2x10112x128xf32, #tpu.memory_space<hbm>> -> memref<1x632x128xf32, #tpu.memory_space<hbm>>
      %dma_start3A_12 = tpu.memref_squeeze %dma_start3A_11 : memref<1x632x128xf32, #tpu.memory_space<hbm>> -> memref<632x128xf32, #tpu.memory_space<hbm>>
      %dma_start3A_13 = arith.constant 0 : i32
      %dma_start3A_14 = tpu.memref_slice %arg10[%mul3A_2, %dma_start3A_13] : memref<10112x128xf32, #tpu.memory_space<vmem_shared>> -> memref<632x128xf32, #tpu.memory_space<vmem_shared>>
      tpu.enqueue_dma source(%dma_start3A_14 : memref<632x128xf32, #tpu.memory_space<vmem_shared>>) target(%dma_start3A_12 : memref<632x128xf32, #tpu.memory_space<hbm>>) target_semaphore(%run_scoped3A : memref<!tpu.dma_semaphore, #tpu.memory_space<semaphore_mem>>)
      %dma_wait3A = arith.constant 0 : i32
      %dma_wait3A_15 = tpu.memref_slice %arg6[%arg0, %mul3A_2, %dma_wait3A] : memref<2x10112x128xf32, #tpu.memory_space<hbm>> -> memref<1x632x128xf32, #tpu.memory_space<hbm>>
      %dma_wait3A_16 = tpu.memref_squeeze %dma_wait3A_15 : memref<1x632x128xf32, #tpu.memory_space<hbm>> -> memref<632x128xf32, #tpu.memory_space<hbm>>
      %dma_wait3A_17 = arith.constant 0 : i32
      %dma_wait3A_18 = tpu.memref_slice %arg10[%mul3A_2, %dma_wait3A_17] : memref<10112x128xf32, #tpu.memory_space<vmem_shared>> -> memref<632x128xf32, #tpu.memory_space<vmem_shared>>
      tpu.wait_dma2 semaphore(%run_scoped3A : memref<!tpu.dma_semaphore, #tpu.memory_space<semaphore_mem>>) src(%dma_wait3A_18 : memref<632x128xf32, #tpu.memory_space<vmem_shared>>) dst(%dma_wait3A_16 : memref<632x128xf32, #tpu.memory_space<hbm>>)
      tpu.yield
    }) : () -> ()
    return
  }
}

module attributes {stable_mosaic.version = 14 : i64} {
  func.func @_lin2_tc(%arg0: i32, %arg1: memref<400x128xf32, #tpu.memory_space<vmem>>, %arg2: memref<128x128xf32, #tpu.memory_space<vmem>>, %arg3: memref<128x128xf32, #tpu.memory_space<vmem>>, %arg4: memref<1x128xf32, #tpu.memory_space<vmem>>, %arg5: memref<400x128xf32, #tpu.memory_space<vmem>>, %arg6: memref<400x128xf32, #tpu.memory_space<vmem>>) attributes {dimension_semantics = [#tpu.dimension_semantics<arbitrary>], iteration_bounds = array<i64: 25>, scalar_prefetch = 0 : i64, scratch_operands = 0 : i64, tpu.core_type = #tpu.core_type<tc>, window_params = [{transform_indices = @transform_0, window_bounds = array<i64: 400, 128>}, {pipeline_mode = #tpu.pipeline_mode<synchronous>, transform_indices = @transform_1, window_bounds = array<i64: 128, 128>}, {pipeline_mode = #tpu.pipeline_mode<synchronous>, transform_indices = @transform_2, window_bounds = array<i64: 128, 128>}, {pipeline_mode = #tpu.pipeline_mode<synchronous>, transform_indices = @transform_3, window_bounds = array<i64: 1, 128>}, {transform_indices = @transform_4, window_bounds = array<i64: 400, 128>}, {transform_indices = @transform_5, window_bounds = array<i64: 400, 128>}]} {
    %get3A = arith.constant 0 : index
    %get3A_0 = arith.constant 0 : index
    %get3A_1 = vector.load %arg1[%get3A, %get3A_0] : memref<400x128xf32, #tpu.memory_space<vmem>>, vector<400x128xf32>
    %get3A_2 = arith.constant 0 : index
    %get3A_3 = arith.constant 0 : index
    %get3A_4 = vector.load %arg2[%get3A_2, %get3A_3] : memref<128x128xf32, #tpu.memory_space<vmem>>, vector<128x128xf32>
    %dot_general3A = arith.constant dense<0.000000e+00> : vector<400x128xf32>
    %dot_general3A_5 = tpu.matmul %get3A_1, %get3A_4, %dot_general3A {dimension_numbers = #tpu.dot_dimension_numbers<[1], [0], [0], [1], [0, 0, 1, 1], [], []>, transpose_lhs_hint = false} : vector<400x128xf32>, vector<128x128xf32>, vector<400x128xf32> -> vector<400x128xf32>
    %get3A_6 = arith.constant 0 : index
    %get3A_7 = arith.constant 0 : index
    %get3A_8 = vector.load %arg4[%get3A_6, %get3A_7] : memref<1x128xf32, #tpu.memory_space<vmem>>, vector<1x128xf32>
    %add3A = vector.broadcast %get3A_8 : vector<1x128xf32> to vector<400x128xf32>
    %add3A_9 = arith.addf %dot_general3A_5, %add3A : vector<400x128xf32>
    %swap3A = arith.constant 0 : index
    %swap3A_10 = arith.constant 0 : index
    %swap3A_11 = vector.load %arg5[%swap3A, %swap3A_10] : memref<400x128xf32, #tpu.memory_space<vmem>>, vector<400x128xf32>
    tpu.vector_store %arg5[%swap3A, %swap3A_10], %add3A_9 {strides = array<i32>} : memref<400x128xf32, #tpu.memory_space<vmem>>, vector<400x128xf32>,
    %get3A_12 = arith.constant 0 : index
    %get3A_13 = arith.constant 0 : index
    %get3A_14 = vector.load %arg3[%get3A_12, %get3A_13] : memref<128x128xf32, #tpu.memory_space<vmem>>, vector<128x128xf32>
    %dot_general3A_15 = arith.constant dense<0.000000e+00> : vector<400x128xf32>
    %dot_general3A_16 = tpu.matmul %get3A_1, %get3A_14, %dot_general3A_15 {dimension_numbers = #tpu.dot_dimension_numbers<[1], [0], [0], [1], [0, 0, 1, 1], [], []>, transpose_lhs_hint = false} : vector<400x128xf32>, vector<128x128xf32>, vector<400x128xf32> -> vector<400x128xf32>
    %swap3A_17 = arith.constant 0 : index
    %swap3A_18 = arith.constant 0 : index
    %swap3A_19 = vector.load %arg6[%swap3A_17, %swap3A_18] : memref<400x128xf32, #tpu.memory_space<vmem>>, vector<400x128xf32>
    tpu.vector_store %arg6[%swap3A_17, %swap3A_18], %dot_general3A_16 {strides = array<i32>} : memref<400x128xf32, #tpu.memory_space<vmem>>, vector<400x128xf32>,
    return
  }
  func.func @transform_0(%arg0: i32) -> (i32, i32) {
    %c0_i32 = arith.constant 0 : i32
    %c0_i32_0 = arith.constant 0 : i32
    return %arg0, %c0_i32 : i32, i32
  }
  func.func @transform_1(%arg0: i32) -> (i32, i32) {
    %c0_i32 = arith.constant 0 : i32
    %c0_i32_0 = arith.constant 0 : i32
    %c0_i32_1 = arith.constant 0 : i32
    return %c0_i32, %c0_i32_0 : i32, i32
  }
  func.func @transform_2(%arg0: i32) -> (i32, i32) {
    %c0_i32 = arith.constant 0 : i32
    %c0_i32_0 = arith.constant 0 : i32
    %c0_i32_1 = arith.constant 0 : i32
    return %c0_i32, %c0_i32_0 : i32, i32
  }
  func.func @transform_3(%arg0: i32) -> (i32, i32) {
    %c0_i32 = arith.constant 0 : i32
    %c0_i32_0 = arith.constant 0 : i32
    %c0_i32_1 = arith.constant 0 : i32
    return %c0_i32, %c0_i32_0 : i32, i32
  }
  func.func @transform_4(%arg0: i32) -> (i32, i32) {
    %c0_i32 = arith.constant 0 : i32
    %c0_i32_0 = arith.constant 0 : i32
    return %arg0, %c0_i32 : i32, i32
  }
  func.func @transform_5(%arg0: i32) -> (i32, i32) {
    %c0_i32 = arith.constant 0 : i32
    %c0_i32_0 = arith.constant 0 : i32
    return %arg0, %c0_i32 : i32, i32
  }
}

module attributes {stable_mosaic.version = 14 : i64} {
  func.func @_comb_lin2_tc(%arg0: i32, %arg1: memref<400x128xf32, #tpu.memory_space<vmem>>, %arg2: memref<400x128xf32, #tpu.memory_space<vmem>>, %arg3: memref<400x128xf32, #tpu.memory_space<vmem>>, %arg4: memref<400x128xf32, #tpu.memory_space<vmem>>, %arg5: memref<400x128xf32, #tpu.memory_space<vmem>>, %arg6: memref<128x128xf32, #tpu.memory_space<vmem>>, %arg7: memref<128x128xf32, #tpu.memory_space<vmem>>, %arg8: memref<1x128xf32, #tpu.memory_space<vmem>>, %arg9: memref<400x128xf32, #tpu.memory_space<vmem>>, %arg10: memref<400x128xf32, #tpu.memory_space<vmem>>, %arg11: memref<400x128xf32, #tpu.memory_space<vmem>>) attributes {dimension_semantics = [#tpu.dimension_semantics<arbitrary>], iteration_bounds = array<i64: 25>, scalar_prefetch = 0 : i64, scratch_operands = 0 : i64, tpu.core_type = #tpu.core_type<tc>, window_params = [{transform_indices = @transform_0, window_bounds = array<i64: 400, 128>}, {transform_indices = @transform_1, window_bounds = array<i64: 400, 128>}, {transform_indices = @transform_2, window_bounds = array<i64: 400, 128>}, {transform_indices = @transform_3, window_bounds = array<i64: 400, 128>}, {transform_indices = @transform_4, window_bounds = array<i64: 400, 128>}, {pipeline_mode = #tpu.pipeline_mode<synchronous>, transform_indices = @transform_5, window_bounds = array<i64: 128, 128>}, {pipeline_mode = #tpu.pipeline_mode<synchronous>, transform_indices = @transform_6, window_bounds = array<i64: 128, 128>}, {pipeline_mode = #tpu.pipeline_mode<synchronous>, transform_indices = @transform_7, window_bounds = array<i64: 1, 128>}, {transform_indices = @transform_8, window_bounds = array<i64: 400, 128>}, {transform_indices = @transform_9, window_bounds = array<i64: 400, 128>}, {transform_indices = @transform_10, window_bounds = array<i64: 400, 128>}]} {
    %get3A = arith.constant 0 : index
    %get3A_0 = arith.constant 0 : index
    %get3A_1 = vector.load %arg1[%get3A, %get3A_0] : memref<400x128xf32, #tpu.memory_space<vmem>>, vector<400x128xf32>
    %get3A_2 = arith.constant 0 : index
    %get3A_3 = arith.constant 0 : index
    %get3A_4 = vector.load %arg2[%get3A_2, %get3A_3] : memref<400x128xf32, #tpu.memory_space<vmem>>, vector<400x128xf32>
    %get3A_5 = arith.constant 0 : index
    %get3A_6 = arith.constant 0 : index
    %get3A_7 = vector.load %arg3[%get3A_5, %get3A_6] : memref<400x128xf32, #tpu.memory_space<vmem>>, vector<400x128xf32>
    %get3A_8 = arith.constant 0 : index
    %get3A_9 = arith.constant 0 : index
    %get3A_10 = vector.load %arg4[%get3A_8, %get3A_9] : memref<400x128xf32, #tpu.memory_space<vmem>>, vector<400x128xf32>
    %get3A_11 = arith.constant 0 : index
    %get3A_12 = arith.constant 0 : index
    %get3A_13 = vector.load %arg5[%get3A_11, %get3A_12] : memref<400x128xf32, #tpu.memory_space<vmem>>, vector<400x128xf32>
    %add3A = arith.addf %get3A_10, %get3A_13 : vector<400x128xf32>
    %slice3A = vector.extract_strided_slice %add3A {offsets = [0, 0], sizes = [400, 1], strides = [1, 1]} : vector<400x128xf32> to vector<400x1xf32>
    %max3A = arith.constant 1.000000e+00 : f32
    %max3A_14 = vector.broadcast %max3A : f32 to vector<400x1xf32>
    %max3A_15 = arith.maximumf %slice3A, %max3A_14 : vector<400x1xf32>
    %add3A_16 = arith.addf %get3A_4, %get3A_7 : vector<400x128xf32>
    %div3A = vector.broadcast %max3A_15 : vector<400x1xf32> to vector<400x128xf32>
    %div3A_17 = arith.divf %add3A_16, %div3A : vector<400x128xf32>
    %add3A_18 = arith.addf %get3A_1, %div3A_17 : vector<400x128xf32>
    %max3A_19 = arith.constant 0.000000e+00 : f32
    %max3A_20 = vector.broadcast %max3A_19 : f32 to vector<400x128xf32>
    %max3A_21 = arith.maximumf %add3A_18, %max3A_20 : vector<400x128xf32>
    %swap3A = arith.constant 0 : index
    %swap3A_22 = arith.constant 0 : index
    %swap3A_23 = vector.load %arg9[%swap3A, %swap3A_22] : memref<400x128xf32, #tpu.memory_space<vmem>>, vector<400x128xf32>
    tpu.vector_store %arg9[%swap3A, %swap3A_22], %max3A_21 {strides = array<i32>} : memref<400x128xf32, #tpu.memory_space<vmem>>, vector<400x128xf32>,
    %get3A_24 = arith.constant 0 : index
    %get3A_25 = arith.constant 0 : index
    %get3A_26 = vector.load %arg6[%get3A_24, %get3A_25] : memref<128x128xf32, #tpu.memory_space<vmem>>, vector<128x128xf32>
    %dot_general3A = arith.constant dense<0.000000e+00> : vector<400x128xf32>
    %dot_general3A_27 = tpu.matmul %max3A_21, %get3A_26, %dot_general3A {dimension_numbers = #tpu.dot_dimension_numbers<[1], [0], [0], [1], [0, 0, 1, 1], [], []>, transpose_lhs_hint = false} : vector<400x128xf32>, vector<128x128xf32>, vector<400x128xf32> -> vector<400x128xf32>
    %get3A_28 = arith.constant 0 : index
    %get3A_29 = arith.constant 0 : index
    %get3A_30 = vector.load %arg8[%get3A_28, %get3A_29] : memref<1x128xf32, #tpu.memory_space<vmem>>, vector<1x128xf32>
    %add3A_31 = vector.broadcast %get3A_30 : vector<1x128xf32> to vector<400x128xf32>
    %add3A_32 = arith.addf %dot_general3A_27, %add3A_31 : vector<400x128xf32>
    %swap3A_33 = arith.constant 0 : index
    %swap3A_34 = arith.constant 0 : index
    %swap3A_35 = vector.load %arg10[%swap3A_33, %swap3A_34] : memref<400x128xf32, #tpu.memory_space<vmem>>, vector<400x128xf32>
    tpu.vector_store %arg10[%swap3A_33, %swap3A_34], %add3A_32 {strides = array<i32>} : memref<400x128xf32, #tpu.memory_space<vmem>>, vector<400x128xf32>,
    %get3A_36 = arith.constant 0 : index
    %get3A_37 = arith.constant 0 : index
    %get3A_38 = vector.load %arg7[%get3A_36, %get3A_37] : memref<128x128xf32, #tpu.memory_space<vmem>>, vector<128x128xf32>
    %dot_general3A_39 = arith.constant dense<0.000000e+00> : vector<400x128xf32>
    %dot_general3A_40 = tpu.matmul %max3A_21, %get3A_38, %dot_general3A_39 {dimension_numbers = #tpu.dot_dimension_numbers<[1], [0], [0], [1], [0, 0, 1, 1], [], []>, transpose_lhs_hint = false} : vector<400x128xf32>, vector<128x128xf32>, vector<400x128xf32> -> vector<400x128xf32>
    %swap3A_41 = arith.constant 0 : index
    %swap3A_42 = arith.constant 0 : index
    %swap3A_43 = vector.load %arg11[%swap3A_41, %swap3A_42] : memref<400x128xf32, #tpu.memory_space<vmem>>, vector<400x128xf32>
    tpu.vector_store %arg11[%swap3A_41, %swap3A_42], %dot_general3A_40 {strides = array<i32>} : memref<400x128xf32, #tpu.memory_space<vmem>>, vector<400x128xf32>,
    return
  }
  func.func @transform_0(%arg0: i32) -> (i32, i32) {
    %c0_i32 = arith.constant 0 : i32
    %c0_i32_0 = arith.constant 0 : i32
    return %arg0, %c0_i32 : i32, i32
  }
  func.func @transform_1(%arg0: i32) -> (i32, i32) {
    %c0_i32 = arith.constant 0 : i32
    %c0_i32_0 = arith.constant 0 : i32
    return %arg0, %c0_i32 : i32, i32
  }
  func.func @transform_2(%arg0: i32) -> (i32, i32) {
    %c0_i32 = arith.constant 0 : i32
    %c0_i32_0 = arith.constant 0 : i32
    return %arg0, %c0_i32 : i32, i32
  }
  func.func @transform_3(%arg0: i32) -> (i32, i32) {
    %c0_i32 = arith.constant 0 : i32
    %c0_i32_0 = arith.constant 0 : i32
    return %arg0, %c0_i32 : i32, i32
  }
  func.func @transform_4(%arg0: i32) -> (i32, i32) {
    %c0_i32 = arith.constant 0 : i32
    %c0_i32_0 = arith.constant 0 : i32
    return %arg0, %c0_i32 : i32, i32
  }
  func.func @transform_5(%arg0: i32) -> (i32, i32) {
    %c0_i32 = arith.constant 0 : i32
    %c0_i32_0 = arith.constant 0 : i32
    %c0_i32_1 = arith.constant 0 : i32
    return %c0_i32, %c0_i32_0 : i32, i32
  }
  func.func @transform_6(%arg0: i32) -> (i32, i32) {
    %c0_i32 = arith.constant 0 : i32
    %c0_i32_0 = arith.constant 0 : i32
    %c0_i32_1 = arith.constant 0 : i32
    return %c0_i32, %c0_i32_0 : i32, i32
  }
  func.func @transform_7(%arg0: i32) -> (i32, i32) {
    %c0_i32 = arith.constant 0 : i32
    %c0_i32_0 = arith.constant 0 : i32
    %c0_i32_1 = arith.constant 0 : i32
    return %c0_i32, %c0_i32_0 : i32, i32
  }
  func.func @transform_8(%arg0: i32) -> (i32, i32) {
    %c0_i32 = arith.constant 0 : i32
    %c0_i32_0 = arith.constant 0 : i32
    return %arg0, %c0_i32 : i32, i32
  }
  func.func @transform_9(%arg0: i32) -> (i32, i32) {
    %c0_i32 = arith.constant 0 : i32
    %c0_i32_0 = arith.constant 0 : i32
    return %arg0, %c0_i32 : i32, i32
  }
  func.func @transform_10(%arg0: i32) -> (i32, i32) {
    %c0_i32 = arith.constant 0 : i32
    %c0_i32_0 = arith.constant 0 : i32
    return %arg0, %c0_i32 : i32, i32
  }
}

module attributes {stable_mosaic.version = 14 : i64} {
  func.func @_comb_tc(%arg0: i32, %arg1: memref<400x128xf32, #tpu.memory_space<vmem>>, %arg2: memref<400x128xf32, #tpu.memory_space<vmem>>, %arg3: memref<400x128xf32, #tpu.memory_space<vmem>>, %arg4: memref<400x128xf32, #tpu.memory_space<vmem>>, %arg5: memref<400x128xf32, #tpu.memory_space<vmem>>, %arg6: memref<400x128xf32, #tpu.memory_space<vmem>>) attributes {dimension_semantics = [#tpu.dimension_semantics<arbitrary>], iteration_bounds = array<i64: 25>, scalar_prefetch = 0 : i64, scratch_operands = 0 : i64, tpu.core_type = #tpu.core_type<tc>, window_params = [{transform_indices = @transform_0, window_bounds = array<i64: 400, 128>}, {transform_indices = @transform_1, window_bounds = array<i64: 400, 128>}, {transform_indices = @transform_2, window_bounds = array<i64: 400, 128>}, {transform_indices = @transform_3, window_bounds = array<i64: 400, 128>}, {transform_indices = @transform_4, window_bounds = array<i64: 400, 128>}, {transform_indices = @transform_5, window_bounds = array<i64: 400, 128>}]} {
    %get3A = arith.constant 0 : index
    %get3A_0 = arith.constant 0 : index
    %get3A_1 = vector.load %arg1[%get3A, %get3A_0] : memref<400x128xf32, #tpu.memory_space<vmem>>, vector<400x128xf32>
    %get3A_2 = arith.constant 0 : index
    %get3A_3 = arith.constant 0 : index
    %get3A_4 = vector.load %arg2[%get3A_2, %get3A_3] : memref<400x128xf32, #tpu.memory_space<vmem>>, vector<400x128xf32>
    %get3A_5 = arith.constant 0 : index
    %get3A_6 = arith.constant 0 : index
    %get3A_7 = vector.load %arg3[%get3A_5, %get3A_6] : memref<400x128xf32, #tpu.memory_space<vmem>>, vector<400x128xf32>
    %get3A_8 = arith.constant 0 : index
    %get3A_9 = arith.constant 0 : index
    %get3A_10 = vector.load %arg4[%get3A_8, %get3A_9] : memref<400x128xf32, #tpu.memory_space<vmem>>, vector<400x128xf32>
    %get3A_11 = arith.constant 0 : index
    %get3A_12 = arith.constant 0 : index
    %get3A_13 = vector.load %arg5[%get3A_11, %get3A_12] : memref<400x128xf32, #tpu.memory_space<vmem>>, vector<400x128xf32>
    %add3A = arith.addf %get3A_10, %get3A_13 : vector<400x128xf32>
    %slice3A = vector.extract_strided_slice %add3A {offsets = [0, 0], sizes = [400, 1], strides = [1, 1]} : vector<400x128xf32> to vector<400x1xf32>
    %max3A = arith.constant 1.000000e+00 : f32
    %max3A_14 = vector.broadcast %max3A : f32 to vector<400x1xf32>
    %max3A_15 = arith.maximumf %slice3A, %max3A_14 : vector<400x1xf32>
    %add3A_16 = arith.addf %get3A_4, %get3A_7 : vector<400x128xf32>
    %div3A = vector.broadcast %max3A_15 : vector<400x1xf32> to vector<400x128xf32>
    %div3A_17 = arith.divf %add3A_16, %div3A : vector<400x128xf32>
    %add3A_18 = arith.addf %get3A_1, %div3A_17 : vector<400x128xf32>
    %max3A_19 = arith.constant 0.000000e+00 : f32
    %max3A_20 = vector.broadcast %max3A_19 : f32 to vector<400x128xf32>
    %max3A_21 = arith.maximumf %add3A_18, %max3A_20 : vector<400x128xf32>
    %swap3A = arith.constant 0 : index
    %swap3A_22 = arith.constant 0 : index
    %swap3A_23 = vector.load %arg6[%swap3A, %swap3A_22] : memref<400x128xf32, #tpu.memory_space<vmem>>, vector<400x128xf32>
    tpu.vector_store %arg6[%swap3A, %swap3A_22], %max3A_21 {strides = array<i32>} : memref<400x128xf32, #tpu.memory_space<vmem>>, vector<400x128xf32>,
    return
  }
  func.func @transform_0(%arg0: i32) -> (i32, i32) {
    %c0_i32 = arith.constant 0 : i32
    %c0_i32_0 = arith.constant 0 : i32
    return %arg0, %c0_i32 : i32, i32
  }
  func.func @transform_1(%arg0: i32) -> (i32, i32) {
    %c0_i32 = arith.constant 0 : i32
    %c0_i32_0 = arith.constant 0 : i32
    return %arg0, %c0_i32 : i32, i32
  }
  func.func @transform_2(%arg0: i32) -> (i32, i32) {
    %c0_i32 = arith.constant 0 : i32
    %c0_i32_0 = arith.constant 0 : i32
    return %arg0, %c0_i32 : i32, i32
  }
  func.func @transform_3(%arg0: i32) -> (i32, i32) {
    %c0_i32 = arith.constant 0 : i32
    %c0_i32_0 = arith.constant 0 : i32
    return %arg0, %c0_i32 : i32, i32
  }
  func.func @transform_4(%arg0: i32) -> (i32, i32) {
    %c0_i32 = arith.constant 0 : i32
    %c0_i32_0 = arith.constant 0 : i32
    return %arg0, %c0_i32 : i32, i32
  }
  func.func @transform_5(%arg0: i32) -> (i32, i32) {
    %c0_i32 = arith.constant 0 : i32
    %c0_i32_0 = arith.constant 0 : i32
    return %arg0, %c0_i32 : i32, i32
  }
}

</mosaic_0001>

<sc_bundles>
// kernel: kernel.11.cloned.1.call-start
scs
__scs_entry_jumppad:
0x0: {  	(pc) =	sbr.rel $0x88, $3  }
0x1: {  	(tag) =	ssettag $0x0;
	lr =	simm.s32 $0x1  }
0x2: {  	[smem:$0x3F99] =	sst lr;
	_ =	strace $0xD0000000  }
0x3: {  	_ = 	snop  }
0x4: {  	_ = 	snop  }
0x5: {  	_ = 	snop  }
0x6: {  	_ = 	snop  }
0x7: {  	_ = 	snop  }
__scs_overlays_trampoline_lowered:
0x8: {  	[smem:$0x3FA8] =	sst s0  }
0x9: {  	[smem:$0x3FA9] =	sst s1  }
0xa: {  	[smem:$0x3FAA] =	sst s2  }
0xb: {  	[smem:$0x3FAB] =	sst s3  }
0xc: {  	[smem:$0x3FAC] =	sst s4  }
0xd: {  	[smem:$0x3FAD] =	sst s5  }
0xe: {  	[smem:$0x3FAE] =	sst s6  }
0xf: {  	[smem:$0x3FAF] =	sst s7  }
0x10: {  	[smem:$0x3FB0] =	sst s8  }
0x11: {  	[smem:$0x3FB1] =	sst s9;
	s0 =	simm.s32 @!p0 $0x0  }
0x12: {  	s1 =	sld [smem:$0x3F97];
	s0 =	simm.s32 @p0 $0x1  }
0x13: {  	[smem:$0x3FB2] =	sst s0;
	s0 =	simm.s32 @!p1 $0x0  }
0x14: {  	s2 =	sld [smem:$0x3F96];
	s0 =	simm.s32 @p1 $0x1  }
0x15: {  	[smem:$0x3FB3] =	sst s0;
	s0 =	simm.s32 @!p2 $0x0  }
0x16: {  	s3 =	sld [smem:$0x3FDB];
	s0 =	simm.s32 @p2 $0x1  }
0x17: {  	s4 =	simm.s32 $0x1BF5;
	[smem:$0x3FB5] =	sst s0  }
0x18: {  	s0 =	sld [smem:$0x3F98];
	_ =	swait.ge [sflag:s4], $0x0  }
0x19: {  	s7 =	sld [smem:$0x3F99]  }
0x1a: {  	s8 =	sadd.s32 $0xFFFFE003, lr  }
0x1b: {  	s9 =	sadd.s32 $0xFFFFFEF7, lr;
	s5 =	simm.s32 $0xFFFFFFFF;
	p2 =	slt.u32 s8, $0xFFFFF086  }
0x1c: {  	p1 =	slt.u32 s9, $0xF7A;
	s5 =	simm.s32 @!p2 $0x0  }
0x1d: {  	s5 =	simm.s32 @p1 $0x1;
	p0 =	seq.s32 s7, s2  }
0x1e: {  	s7 =	smul.u32 @!p0 $0xF7A, s2;
	p2 =	seq.s32 @!p0 s5, $0x0  }
0x1f: {  	s9 =	smul.u32 $0xF7A, s1;
	s8 =	simm.s32 @!p0 $0x1BF5;
	p2 =	por !p2, p0  }
0x20: {  	[sflag:s8] =	ssyncset.s32 @!p0 $0xFFFFF086;
	s6 =	sadd.s32 @!p0 s3, s7;
	s7 =	simm.s32 @!p0 $0x108  }
0x21: {  	s3 =	sadd.s32 s3, s9;
	s6 =	sadd.s32 @!p0 $0x88, s6;
	s7 =	simm.s32 @p2 $0x1082  }
0x22: {  	[simem:s7], [sflag:s8] =	dma.local @!p0 [hbm:s6], $0xF7A  }
0x23: {  	s9 =	sor.u32 $0xD0000000, s2;
	s6 =	simm.s32 $0x108;
	_ =	swait.ge @!p0 [sflag:s8], $0x0  }
0x24: {  	s3 =	sadd.s32 $0x88, s3;
	s6 =	simm.s32 @!p1 $0x1082;
	[sflag:s4] =	ssyncset.s32 $0xFFFFF086  }
0x25: {  	[simem:s6], [sflag:s4] =	dma.local [hbm:s3], $0xF7A  }
0x26: {  	[smem:$0x3F99] =	sst s1;
	(tag) =	ssettag s2;
	_ =	strace s9  }
0x27: {  	s1 =	sld [smem:$0x3FA9]  }
0x28: {  	s2 =	sld [smem:$0x3FAA]  }
0x29: {  	s4 =	sld [smem:$0x3FAC]  }
0x2a: {  	p0 =	seq.s32 s5, $0x0;
	s5 =	sld [smem:$0x3FAD]  }
0x2b: {  	s6 =	sld [smem:$0x3FAE]  }
0x2c: {  	s7 =	sld [smem:$0x3FAF]  }
0x2d: {  	s3 =	simm.s32 $0x108;
	s8 =	sld [smem:$0x3FB0]  }
0x2e: {  	s3 =	simm.s32 @!p0 $0x1082;
	s9 =	sld [smem:$0x3FB1]  }
0x2f: {  	lr =	sadd.s32 s0, s3;
	s0 =	sld [smem:$0x3FA8]  }
0x30: {  	s3 =	sld [smem:$0x3FAB]  }
0x31: {  	[smem:$0x3FB4] =	sst s10  }
0x32: {  	s10 =	sld [smem:$0x3FB2];
	_ =	sdelay $0x3  }
0x33: {  	p0 =	seq.s32 s10, $0x1;
	s10 =	sld [smem:$0x3FB4];
	_ =	sdelay $0x3  }
0x34: {  	[smem:$0x3FB4] =	sst s10  }
0x35: {  	s10 =	sld [smem:$0x3FB3];
	_ =	sdelay $0x3  }
0x36: {  	p1 =	seq.s32 s10, $0x1;
	s10 =	sld [smem:$0x3FB4];
	_ =	sdelay $0x3  }
0x37: {  	[smem:$0x3FB4] =	sst s10  }
0x38: {  	s10 =	sld [smem:$0x3FB5]  }
0x39: {  	_ = 	snop;
	(pc) =	sbr.ind lr, $3  }
0x3a: {  	_ = 	snop  }
0x3b: {  	_ = 	snop  }
0x3c: {  	p2 =	seq.s32 s10, $0x1;
	s10 =	sld [smem:$0x3FB4]  }
0x3d: {  	_ =	shalt  }
0x3e: {  	_ =	shalt  }
0x3f: {  	_ =	shalt  }
0x40: {  	_ =	shalt  }
0x41: {  	_ =	shalt  }
0x42: {  	_ =	shalt  }
0x43: {  	_ =	shalt  }
0x44: {  	_ =	shalt  }
0x45: {  	_ =	shalt  }
0x46: {  	_ =	shalt  }
0x47: {  	_ =	shalt  }
0x48: {  	_ =	shalt  }
0x49: {  	_ =	shalt  }
0x4a: {  	_ =	shalt  }
0x4b: {  	_ =	shalt  }
0x4c: {  	_ =	shalt  }
0x4d: {  	_ =	shalt  }
0x4e: {  	_ =	shalt  }
0x4f: {  	_ =	shalt  }
0x50: {  	_ =	shalt  }
0x51: {  	_ =	shalt  }
0x52: {  	_ =	shalt  }
0x53: {  	_ =	shalt  }
0x54: {  	_ =	shalt  }
0x55: {  	_ =	shalt  }
0x56: {  	_ =	shalt  }
0x57: {  	_ =	shalt  }
0x58: {  	_ =	shalt  }
0x59: {  	_ =	shalt  }
0x5a: {  	_ =	shalt  }
0x5b: {  	_ =	shalt  }
0x5c: {  	_ =	shalt  }
0x5d: {  	_ =	shalt  }
0x5e: {  	_ =	shalt  }
0x5f: {  	_ =	shalt  }
0x60: {  	_ =	shalt  }
0x61: {  	_ =	shalt  }
0x62: {  	_ =	shalt  }
0x63: {  	_ =	shalt  }
0x64: {  	_ =	shalt  }
0x65: {  	_ =	shalt  }
0x66: {  	_ =	shalt  }
0x67: {  	_ =	shalt  }
0x68: {  	_ =	shalt  }
0x69: {  	_ =	shalt  }
0x6a: {  	_ =	shalt  }
0x6b: {  	_ =	shalt  }
0x6c: {  	_ =	shalt  }
0x6d: {  	_ =	shalt  }
0x6e: {  	_ =	shalt  }
0x6f: {  	_ =	shalt  }
0x70: {  	_ =	shalt  }
0x71: {  	_ =	shalt  }
0x72: {  	_ =	shalt  }
0x73: {  	_ =	shalt  }
0x74: {  	_ =	shalt  }
0x75: {  	_ =	shalt  }
0x76: {  	_ =	shalt  }
0x77: {  	_ =	shalt  }
0x78: {  	_ =	shalt  }
0x79: {  	_ =	shalt  }
0x7a: {  	_ =	shalt  }
0x7b: {  	_ =	shalt  }
0x7c: {  	_ =	shalt  }
0x7d: {  	_ =	shalt  }
0x7e: {  	_ =	shalt  }
0x7f: {  	_ =	shalt  }
0x80: {  	_ =	shalt  }
0x81: {  	_ =	shalt  }
0x82: {  	_ =	shalt  }
0x83: {  	_ =	shalt  }
0x84: {  	_ =	shalt  }
0x85: {  	_ =	shalt  }
0x86: {  	_ =	shalt  }
0x87: {  	_ =	shalt  }
.Lfunc_end0:
.L_simem_size_0:
called_computation.1_lowered:
.L_overlay_start_0:
0x88: {  	s2 =	sld [smem:$0x3FD9]  }
0x89: {  	s3 =	sld [smem:$0x3FFE];
	_ =	sdelay $0x1  }
0x8a: {  	s1 =	srdreg.scid  }
0x8b: {  	s0 =	sand.u32 $0x1, s1  }
0x8c: {  	s14 =	sshll.u32 s0, $0xA;
	s2 =	sadd.s32 s3, s2  }
0x8d: {  	s2 =	sadd.s32 s2, s14  }
0x8e: {  	[smem:$0x3FC0] =	sst s2  }
0x8f: {  	_ = 	snop  }
0x90: {  	s2 =	sld [smem:$0x3FD0];
	_ =	sdelay $0x2  }
0x91: {  	s15 =	simm.s32 $0xA;
	s4 =	simm.s32 $0x10  }
0x92: {  	[smem:s4], [sflag:s15] =	dma.local [hbm:s2], $0x1  }
0x93: {  	_ =	swait.eq [sflag:s15], $0x1  }
0x94: {  	[sflag:s15] =	ssyncset.done $0x0  }
0x95: {  	[sflag:s15] =	ssyncadd.s32 $0xFFFFFFFF  }
0x96: {  	s16 =	sld [smem:$0x12];
	(tm) =	ssettm $0x1  }
0x97: {  	s17 =	sld [smem:$0x3FFB];
	_ =	sdelay $0x3  }
0x98: {  	_ =	strace s17  }
0x99: {  	s3 =	sld [smem:$0x3FFC];
	_ =	sdelay $0x3  }
0x9a: {  	_ =	strace s3  }
0x9b: {  	s3 =	sld [smem:$0x3FFD];
	_ =	sdelay $0x3  }
0x9c: {  	_ =	strace s3  }
0x9d: {  	_ =	strace $0x8FFFFFFF  }
0x9e: {  	s18 =	sld [smem:$0x3FDB];
	_ =	sdelay $0x1  }
0x9f: {  	s19 =	simm.s32 $_scs_section_size  }
0xa0: {  	s5 =	simm.s32 $_size__tile_overlayer_lowered;
	s6 =	simm.s32 $_tile_overlayer_lowered  }
0xa1: {  	s22 =	simm.s32 $0x1BFF;
	s21 =	sshll.u32 s6, $0x1;
	s3 =	sadd.s32 s19, s18  }
0xa2: {  	s7 =	simm.s32 $0x0;
	s20 =	sshll.u32 s5, $0x1;
	s5 =	sadd.s32 s21, s3  }
0xa3: {  	[timem:s7], [sflag:s22] =	dma.local [hbm:s5], s20  }
0xa4: {  	_ =	swait.ge [sflag:s22], s20  }
0xa5: {  	s4 =	ssub.s32 $0x0, s20;
	[sflag:s22] =	ssyncset.done $0x0  }
0xa6: {  	[sflag:s22] =	ssyncadd.s32 s4;
	_ =	sdelay $0x1  }
0xa7: {  	s23 =	simm.s32 $0x1B8B  }
0xa8: {  	_ =	swait.ge [sflag:s23], $0x1  }
0xa9: {  	[sflag:s23] =	ssyncset.done $0x0  }
0xaa: {  	s25 =	simm.s32 $0x1B8E;
	s24 =	sld [smem:$0x3FFE];
	[sflag:s23] =	ssyncadd.s32 $0xFFFFFFFF  }
0xab: {  	s26 =	simm.s32 $execute0_lowered;
	[smem:$0x3FD2] =	sst s25  }
0xac: {  	s5 =	sshll.u32 s26, $0x1;
	_ =	strace $0x80000049;
	[dreg:$0x1] =	wrdreg $0xFFFFFFFF  }
0xad: {  	s28 =	simm.s32 $_size_execute0_lowered;
	s3 =	sadd.s32 s3, s5;
	[dreg:$0x0] =	wrdreg $0x0  }
0xae: {  	s5 =	sshll.u32 s28, $0x1;
	[dreg:$0x2] =	wrdreg s3  }
0xaf: {  	[dreg:$0x3] =	wrdreg s5  }
0xb0: {  	[dreg:$0x4] =	wrdreg $0xC0  }
0xb1: {  	_ =	task [dreg:s7], $0x5FFFF  }
0xb2: {  	[dreg:$0x1] =	wrdreg $0xFFFFFFFF  }
0xb3: {  	[dreg:$0x0] =	wrdreg $0x60  }
0xb4: {  	[dreg:$0x2] =	wrdreg s16  }
0xb5: {  	[dreg:$0x3] =	wrdreg s24  }
0xb6: {  	[dreg:$0x4] =	wrdreg $0xA0000  }
0xb7: {  	[dreg:$0x5] =	wrdreg $0x9  }
0xb8: {  	_ =	task.clear_ibuf [dreg:s7], $0x6FFFF;
	_ =	strace $0x90000049  }
0xb9: {  	s29 =	simm.s32 $0x9;
	_ =	strace $0x8000004B  }
0xba: {  	_ =	swait.ge [sflag:s29], $0x1  }
0xbb: {  	[sflag:s29] =	ssyncadd.s32 $0xFFFFFFFF  }
0xbc: {  	_ =	strace $0x9000004B  }
0xbd: {  	_ =	sfence  }
0xbe: {  	s30 =	sld [smem:$0x0];
	_ =	sdelay $0x2  }
0xbf: {  	s31 =	sshll.u32 s1, $0xD;
	s1 =	sshrl.u32 s1, $0x2  }
0xc0: {  	s3 =	sand.u32 $0x4000, s31;
	s1 =	sadd.s32 s1, s30  }
0xc1: {  	s0 =	sor.u32 s3, s0;
	s1 =	sshll.u32 s1, $0x11  }
0xc2: {  	s0 =	sor.u32 s1, s0  }
0xc3: {  	s0 =	sadd.s32 $0x8F2B, s0  }
0xc4: {  	[sflag:s0] =	ssyncadd.remote.s32 $0x1  }
0xc5: {  	_ =	sfence.sel $0xFFFF  }
0xc6: {  	[dreg:$0x0] =	wrdreg $0xFFFFFFFF;
	(pc) =	sbr.abs _section_cstart, $3  }
0xc7: {  	[dreg:$0x1] =	wrdreg $0xFFFFFFFF  }
0xc8: {  	_ =	task.clear_ibuf [dreg:s7], $0x2FFFF;
	_ =	strace $0x9FFFFFFF  }
0xc9: {  	(tm) =	ssettm $0x7FFFFFFF  }
tec
execute0_lowered:
.L_overlay_start_1:
0x0: {  	(tag) =	ssettag $0x1  }
0x1: {  	s1 =	rddreg [dreg:$0x0]  }
0x2: {  	s5 =	rddreg [dreg:$0x1]  }
0x3: {  	s0 =	srdreg.scid;
	s3 =	rddreg [dreg:$0x2]  }
0x4: {  	s4 =	simm.s32 $0x0;
	s14 =	simm.s32 $0x80;
	s15 =	simm.s32 $0x6000  }
0x5: {  	s16 =	simm.s32 $0x1;
	s9 =	sand.u32 $0x1, s0;
	s0 =	stileid.u32  }
0x6: {  	s17 =	simm.s32 $0x0;
	[smem:$0x7FF] =	sst s4;
	s7 =	smul.u32 $0x13C00, s0  }
0x7: {  	s2 =	sshll.u32 s9, $0x4;
	s8 =	smul.u32 $0x13C000, s9;
	s28 =	ssub.s32 $0x2, s9  }
0x8: {  	s11 =	smul.u32 $0x4F000, s0;
	s31 =	sshll.u32 s0, $0x6;
	s2 =	sor.u32 s0, s2  }
0x9: {  	p0 =	seq.s32 s9, $0x1;
	s29 =	sshrl.u32 s28, $0x1;
	s6 =	smul.u32 $0x600, s2  }
0xa: {  	s2 =	rddreg [dreg:$0x3];
	_ =	strace $0x8000004A;
	s26 =	sshrl.u32 s7, $0x3  }
0xb: {  	s7 =	sadd.s32 s7, s8;
	s13 =	ssub.s32 s28, s29;
	s30 =	sshrl.u32 s11, $0x2  }
.Ltmp0:
0xc: {  	s7 =	sshrl.u32 s7, $0x3;
	s11 =	sadd.s32 s30, s3;
	(pc) =	sbr.rel .LBB2_1-.Ltmp0, $4  }
0xd: {  	s10 =	sadd.s32 s6, s5;
	s6 =	sadd.s32 s26, s5;
	s12 =	sadd.s32 s7, s5  }
0xe: {  	s11 =	sshrl.u32 s11, $0x3;
	s5 =	sadd.s32 $0x3C00, s6;
	s6 =	sor.u32 $0x1C02, s31  }
0xf: {  	s7 =	sadd.s32 $0x7A400, s10;
	s8 =	sadd.s32 $0x86400, s10;
	s9 =	sadd.s32 $0x92400, s12  }
0x10: {  	s10 =	smax.u32 s13, $0x1;
	s12 =	simm.s32 $0x2;
	s13 =	simm.s32 $0x3000  }
.LBB2_7:
0x11: {  	s18 =	sshra.s32 s18, $0x2;
	[sflag:s12] =	ssyncadd.s32 $0xFFFFC000  }
0x12: {  	[tilespmem:s15], [sflag:$0x1] =	stream.indirect.gather [hbm4b:s1+s14], $0x80, s18, s14, $0xb8;
	[tilespmem:$0x1DC00] =	vst v63  }
0x13: {  	_ =	swait.ge [sflag:s16], $0x4000  }
0x14: {  	[sflag:s16] =	ssyncset.done $0x0  }
0x15: {  	s18 =	sadd.s32 $0x3000, s18;
	[sflag:s16] =	ssyncadd.s32 $0xFFFFC000  }
0x16: {  	[spmem:s3] =	stream.indirect.scatter.add.f32 [tilespmem:s15], [sflag:$0x2], $0x80, s18, s14, $0xb8;
	[tilespmem:$0x1DC00] =	vst v63  }
0x17: {  	_ =	swait.ge [sflag:s12], $0x4000  }
0x18: {  	[sflag:s12] =	ssyncset.done $0x0  }
0x19: {  	[sflag:s12] =	ssyncadd.s32 $0xFFFFC000  }
.LBB2_8:
0x1a: {  	s17 =	sadd.s32 $0x1, s17  }
0x1b: {  	p1 =	sne.s32 s17, s10  }
.Ltmp1:
0x1c: {  	[bflag:$0x0] =	sbarrier.arrive $0xFFFF;
	(pc) =	sbr.rel @!p1 .LBB2_9-.Ltmp1, $4  }
0x1d: {  	[hbm:s9], [sflag:s6] =	dma.local [spmem:s11], $0x2780  }
0x1e: {  	_ =	swait.ge [sflag:s12], $0x2780  }
0x1f: {  	[sflag:s12] =	ssyncset.done $0x0  }
0x20: {  	[sflag:s12] =	ssyncadd.s32 $0xFFFFD880  }
.LBB2_1:
0x21: {  	[spmem:s11], [sflag:s6] =	dma.local [hbm:s5], $0x2780  }
0x22: {  	_ =	swait.ge [sflag:s12], $0x2780  }
0x23: {  	[sflag:s12] =	ssyncset.done $0x0  }
0x24: {  	[sflag:s12] =	ssyncadd.s32 $0xFFFFD880  }
0x25: {  	[tilespmem:s4], [sflag:$0x2] =	stream.linear.gather [hbm4b:s7+s4], $0x2E00, $0x38;
	[tilespmem:$0x1DC00] =	vst v63  }
0x26: {  	_ =	swait.ge [sflag:s12], $0x2E00  }
0x27: {  	[sflag:s12] =	ssyncset.done $0x0  }
0x28: {  	[sflag:s12] =	ssyncadd.s32 $0xFFFFD200  }
0x29: {  	[tilespmem:s13], [sflag:$0x2] =	stream.linear.gather [hbm4b:s8+s4], $0x2E00, $0x38;
	[tilespmem:$0x1DC00] =	vst v63  }
.Ltmp2:
0x2a: {  	_ =	swait.ge [sflag:s12], $0x2E00;
	(pc) =	sbr.rel @!p0 .LBB2_2-.Ltmp2, $4  }
0x2b: {  	[sflag:s12] =	ssyncset.done $0x0  }
0x2c: {  	[sflag:s12] =	ssyncadd.s32 $0xFFFFD200  }
0x2d: {  	[bflag:$0x0] =	sbarrier.arrive $0xFFFF  }
0x2e: {  	s18 =	simm.s32 $0x0  }
0x2f: {  	[tilespmem:s15], [sflag:$0x1] =	stream.indirect.gather [hbm4b:s1+s14], $0x80, s18, s14, $0xb8;
	[tilespmem:$0x1DC00] =	vst v63  }
0x30: {  	_ =	swait.ge [sflag:s16], $0x4000  }
0x31: {  	[sflag:s16] =	ssyncset.done $0x0  }
0x32: {  	s31 =	simm.s32 $0x3000;
	[sflag:s16] =	ssyncadd.s32 $0xFFFFC000  }
0x33: {  	[spmem:s3] =	stream.indirect.scatter.add.f32 [tilespmem:s15], [sflag:$0x2], $0x80, s31, s14, $0xb8;
	[tilespmem:$0x1DC00] =	vst v63  }
0x34: {  	_ =	swait.ge [sflag:s12], $0x4000  }
0x35: {  	s18 =	simm.s32 $0x200;
	s19 =	simm.s32 $0x400;
	[sflag:s12] =	ssyncset.done $0x0  }
.LBB2_6:
0x36: {  	s20 =	sshra.s32 s18, $0x2  }
0x37: {  	[sflag:s12] =	ssyncadd.s32 $0xFFFFC000;
	s18 =	smov.u32 s19;
	s21 =	sadd.s32 $0x200, s19  }
0x38: {  	[tilespmem:s15], [sflag:$0x1] =	stream.indirect.gather [hbm4b:s1+s14], $0x80, s20, s14, $0xb8;
	[tilespmem:$0x1DC00] =	vst v63  }
0x39: {  	p1 =	sne.s32 s19, $0x8000;
	_ =	swait.ge [sflag:s16], $0x4000  }
.Ltmp3:
0x3a: {  	[sflag:s16] =	ssyncset.done $0x0;
	(pc) =	sbr.rel @p1 .LBB2_6-.Ltmp3, $4  }
0x3b: {  	s19 =	sadd.s32 $0x3000, s20;
	[sflag:s16] =	ssyncadd.s32 $0xFFFFC000  }
0x3c: {  	[spmem:s3] =	stream.indirect.scatter.add.f32 [tilespmem:s15], [sflag:$0x2], $0x80, s19, s14, $0xb8;
	[tilespmem:$0x1DC00] =	vst v63  }
0x3d: {  	_ =	swait.ge [sflag:s12], $0x4000  }
0x3e: {  	s19 =	smov.u32 s21;
	[sflag:s12] =	ssyncset.done $0x0  }
.Ltmp4:
0x3f: {  	_ = 	snop;
	(pc) =	sbr.rel .LBB2_7-.Ltmp4, $1  }
0x40: {  	_ =	sdelay $0x3  }
.LBB2_2:
0x41: {  	[tilespmem:s15], [sflag:$0x1] =	stream.indirect.gather [hbm4b:s1+s14], $0x80, s18, s14, $0xb8;
	[tilespmem:$0x1DC00] =	vst v63  }
0x42: {  	_ =	swait.ge [sflag:s16], $0x4000  }
0x43: {  	[sflag:s16] =	ssyncset.done $0x0  }
0x44: {  	s31 =	simm.s32 $0x3000;
	[sflag:s16] =	ssyncadd.s32 $0xFFFFC000  }
0x45: {  	[spmem:s3] =	stream.indirect.scatter.add.f32 [tilespmem:s15], [sflag:$0x2], $0x80, s31, s14, $0xb8;
	[tilespmem:$0x1DC00] =	vst v63  }
0x46: {  	_ =	swait.ge [sflag:s12], $0x4000  }
0x47: {  	s18 =	simm.s32 $0x200;
	s19 =	simm.s32 $0x400;
	[sflag:s12] =	ssyncset.done $0x0  }
.LBB2_3:
0x48: {  	s20 =	sshra.s32 s18, $0x2  }
0x49: {  	[sflag:s12] =	ssyncadd.s32 $0xFFFFC000;
	s18 =	smov.u32 s19;
	s21 =	sadd.s32 $0x200, s19  }
0x4a: {  	[tilespmem:s15], [sflag:$0x1] =	stream.indirect.gather [hbm4b:s1+s14], $0x80, s20, s14, $0xb8;
	[tilespmem:$0x1DC00] =	vst v63  }
0x4b: {  	p1 =	seq.s32 s19, $0xB600;
	_ =	swait.ge [sflag:s16], $0x4000  }
.Ltmp5:
0x4c: {  	[sflag:s16] =	ssyncset.done $0x0;
	(pc) =	sbr.rel @!p1 .LBB2_3-.Ltmp5, $4  }
0x4d: {  	s19 =	sadd.s32 $0x3000, s20;
	[sflag:s16] =	ssyncadd.s32 $0xFFFFC000  }
0x4e: {  	[spmem:s3] =	stream.indirect.scatter.add.f32 [tilespmem:s15], [sflag:$0x2], $0x80, s19, s14, $0xb8;
	[tilespmem:$0x1DC00] =	vst v63  }
0x4f: {  	_ =	swait.ge [sflag:s12], $0x4000  }
0x50: {  	s19 =	smov.u32 s21;
	[sflag:s12] =	ssyncset.done $0x0  }
0x51: {  	s18 =	sshra.s32 s18, $0x2;
	[sflag:s12] =	ssyncadd.s32 $0xFFFFC000  }
0x52: {  	[tilespmem:s15], [sflag:$0x1] =	stream.indirect.gather [hbm4b:s1+s14], $0x80, s18, s14, $0xb8;
	[tilespmem:$0x1DC00] =	vst v63  }
0x53: {  	_ =	swait.ge [sflag:s16], $0x4000  }
0x54: {  	[sflag:s16] =	ssyncset.done $0x0  }
.Ltmp6:
0x55: {  	s18 =	sadd.s32 $0x3000, s18;
	[sflag:s16] =	ssyncadd.s32 $0xFFFFC000;
	(pc) =	sbr.rel .LBB2_8-.Ltmp6, $4  }
0x56: {  	[spmem:s3] =	stream.indirect.scatter.add.f32 [tilespmem:s15], [sflag:$0x2], $0x80, s18, s14, $0xb8;
	[tilespmem:$0x1DC00] =	vst v63  }
0x57: {  	_ =	swait.ge [sflag:s12], $0x4000  }
0x58: {  	[sflag:s12] =	ssyncset.done $0x0  }
0x59: {  	[sflag:s12] =	ssyncadd.s32 $0xFFFFC000  }
.LBB2_9:
0x5a: {  	_ =	sfence.sel $0x180000  }
0x5b: {  	[bflag:$0x0] =	sbarrier.arrive $0xFFFF  }
0x5c: {  	p0 =	sne.s32 s0, $0x0;
	_ =	strace $0x9000004A  }
0x5d: {  	s0 =	sadd.s32 @!p0 $0x100000, s2;
	[bflag:$0x2] =	sbarrier.arrive $0xFFFF  }
0x5e: {  	[sflag:s0] =	ssyncadd.tile.s32 @!p0 $0x1;
	_ =	shalt  }
.Lfunc_end2:
_tile_overlayer_lowered:
.L_overlay_start_2:
0x5f: {  	(tag) =	ssettag $0x2  }
0x60: {  	s0 =	rddreg [dreg:$0x0];
	s2 =	stileid.u32  }
0x61: {  	s1 =	rddreg [dreg:$0x1];
	p0 =	sne.s32 s2, $0x0  }
0x62: {  	s3 =	rddreg [dreg:$0x2];
	[bflag:$0x3] =	sbarrier.arrive $0xFFFF;
	s2 =	simm.s32 @!p0 $0x1C02  }
0x63: {  	[timem:s3], [sflag:s2] =	dma.local @!p0 [hbm:s0], s1  }
0x64: {  	s0 =	simm.s32 @!p0 $0x2  }
0x65: {  	_ =	swait.ge @!p0 [sflag:s0], s1  }
0x66: {  	s1 =	ssub.s32 @!p0 $0x0, s1;
	[sflag:s0] =	ssyncset.done @!p0 $0x0  }
0x67: {  	[sflag:s0] =	ssyncadd.s32 @!p0 s1  }
0x68: {  	[bflag:$0x3] =	sbarrier.arrive $0xFFFF  }
0x69: {  	_ =	shalt  }

// kernel: kernel.14.cloned.1.call-start
scs
__scs_entry_jumppad:
0x0: {  	(pc) =	sbr.rel $0x88, $3  }
0x1: {  	(tag) =	ssettag $0x0;
	lr =	simm.s32 $0x1  }
0x2: {  	[smem:$0x3F99] =	sst lr;
	_ =	strace $0xD0000000  }
0x3: {  	_ = 	snop  }
0x4: {  	_ = 	snop  }
0x5: {  	_ = 	snop  }
0x6: {  	_ = 	snop  }
0x7: {  	_ = 	snop  }
__scs_overlays_trampoline_lowered:
0x8: {  	[smem:$0x3FA8] =	sst s0  }
0x9: {  	[smem:$0x3FA9] =	sst s1  }
0xa: {  	[smem:$0x3FAA] =	sst s2  }
0xb: {  	[smem:$0x3FAB] =	sst s3  }
0xc: {  	[smem:$0x3FAC] =	sst s4  }
0xd: {  	[smem:$0x3FAD] =	sst s5  }
0xe: {  	[smem:$0x3FAE] =	sst s6  }
0xf: {  	[smem:$0x3FAF] =	sst s7  }
0x10: {  	[smem:$0x3FB0] =	sst s8  }
0x11: {  	[smem:$0x3FB1] =	sst s9;
	s0 =	simm.s32 @!p0 $0x0  }
0x12: {  	s1 =	sld [smem:$0x3F97];
	s0 =	simm.s32 @p0 $0x1  }
0x13: {  	[smem:$0x3FB2] =	sst s0;
	s0 =	simm.s32 @!p1 $0x0  }
0x14: {  	s2 =	sld [smem:$0x3F96];
	s0 =	simm.s32 @p1 $0x1  }
0x15: {  	[smem:$0x3FB3] =	sst s0;
	s0 =	simm.s32 @!p2 $0x0  }
0x16: {  	s3 =	sld [smem:$0x3FDB];
	s0 =	simm.s32 @p2 $0x1  }
0x17: {  	s4 =	simm.s32 $0x1BF5;
	[smem:$0x3FB5] =	sst s0  }
0x18: {  	s0 =	sld [smem:$0x3F98];
	_ =	swait.ge [sflag:s4], $0x0  }
0x19: {  	s7 =	sld [smem:$0x3F99]  }
0x1a: {  	s8 =	sadd.s32 $0xFFFFE003, lr  }
0x1b: {  	s9 =	sadd.s32 $0xFFFFFEF7, lr;
	s5 =	simm.s32 $0xFFFFFFFF;
	p2 =	slt.u32 s8, $0xFFFFF086  }
0x1c: {  	p1 =	slt.u32 s9, $0xF7A;
	s5 =	simm.s32 @!p2 $0x0  }
0x1d: {  	s5 =	simm.s32 @p1 $0x1;
	p0 =	seq.s32 s7, s2  }
0x1e: {  	s7 =	smul.u32 @!p0 $0xF7A, s2;
	p2 =	seq.s32 @!p0 s5, $0x0  }
0x1f: {  	s9 =	smul.u32 $0xF7A, s1;
	s8 =	simm.s32 @!p0 $0x1BF5;
	p2 =	por !p2, p0  }
0x20: {  	[sflag:s8] =	ssyncset.s32 @!p0 $0xFFFFF086;
	s6 =	sadd.s32 @!p0 s3, s7;
	s7 =	simm.s32 @!p0 $0x108  }
0x21: {  	s3 =	sadd.s32 s3, s9;
	s6 =	sadd.s32 @!p0 $0x88, s6;
	s7 =	simm.s32 @p2 $0x1082  }
0x22: {  	[simem:s7], [sflag:s8] =	dma.local @!p0 [hbm:s6], $0xF7A  }
0x23: {  	s9 =	sor.u32 $0xD0000000, s2;
	s6 =	simm.s32 $0x108;
	_ =	swait.ge @!p0 [sflag:s8], $0x0  }
0x24: {  	s3 =	sadd.s32 $0x88, s3;
	s6 =	simm.s32 @!p1 $0x1082;
	[sflag:s4] =	ssyncset.s32 $0xFFFFF086  }
0x25: {  	[simem:s6], [sflag:s4] =	dma.local [hbm:s3], $0xF7A  }
0x26: {  	[smem:$0x3F99] =	sst s1;
	(tag) =	ssettag s2;
	_ =	strace s9  }
0x27: {  	s1 =	sld [smem:$0x3FA9]  }
0x28: {  	s2 =	sld [smem:$0x3FAA]  }
0x29: {  	s4 =	sld [smem:$0x3FAC]  }
0x2a: {  	p0 =	seq.s32 s5, $0x0;
	s5 =	sld [smem:$0x3FAD]  }
0x2b: {  	s6 =	sld [smem:$0x3FAE]  }
0x2c: {  	s7 =	sld [smem:$0x3FAF]  }
0x2d: {  	s3 =	simm.s32 $0x108;
	s8 =	sld [smem:$0x3FB0]  }
0x2e: {  	s3 =	simm.s32 @!p0 $0x1082;
	s9 =	sld [smem:$0x3FB1]  }
0x2f: {  	lr =	sadd.s32 s0, s3;
	s0 =	sld [smem:$0x3FA8]  }
0x30: {  	s3 =	sld [smem:$0x3FAB]  }
0x31: {  	[smem:$0x3FB4] =	sst s10  }
0x32: {  	s10 =	sld [smem:$0x3FB2];
	_ =	sdelay $0x3  }
0x33: {  	p0 =	seq.s32 s10, $0x1;
	s10 =	sld [smem:$0x3FB4];
	_ =	sdelay $0x3  }
0x34: {  	[smem:$0x3FB4] =	sst s10  }
0x35: {  	s10 =	sld [smem:$0x3FB3];
	_ =	sdelay $0x3  }
0x36: {  	p1 =	seq.s32 s10, $0x1;
	s10 =	sld [smem:$0x3FB4];
	_ =	sdelay $0x3  }
0x37: {  	[smem:$0x3FB4] =	sst s10  }
0x38: {  	s10 =	sld [smem:$0x3FB5]  }
0x39: {  	_ = 	snop;
	(pc) =	sbr.ind lr, $3  }
0x3a: {  	_ = 	snop  }
0x3b: {  	_ = 	snop  }
0x3c: {  	p2 =	seq.s32 s10, $0x1;
	s10 =	sld [smem:$0x3FB4]  }
0x3d: {  	_ =	shalt  }
0x3e: {  	_ =	shalt  }
0x3f: {  	_ =	shalt  }
0x40: {  	_ =	shalt  }
0x41: {  	_ =	shalt  }
0x42: {  	_ =	shalt  }
0x43: {  	_ =	shalt  }
0x44: {  	_ =	shalt  }
0x45: {  	_ =	shalt  }
0x46: {  	_ =	shalt  }
0x47: {  	_ =	shalt  }
0x48: {  	_ =	shalt  }
0x49: {  	_ =	shalt  }
0x4a: {  	_ =	shalt  }
0x4b: {  	_ =	shalt  }
0x4c: {  	_ =	shalt  }
0x4d: {  	_ =	shalt  }
0x4e: {  	_ =	shalt  }
0x4f: {  	_ =	shalt  }
0x50: {  	_ =	shalt  }
0x51: {  	_ =	shalt  }
0x52: {  	_ =	shalt  }
0x53: {  	_ =	shalt  }
0x54: {  	_ =	shalt  }
0x55: {  	_ =	shalt  }
0x56: {  	_ =	shalt  }
0x57: {  	_ =	shalt  }
0x58: {  	_ =	shalt  }
0x59: {  	_ =	shalt  }
0x5a: {  	_ =	shalt  }
0x5b: {  	_ =	shalt  }
0x5c: {  	_ =	shalt  }
0x5d: {  	_ =	shalt  }
0x5e: {  	_ =	shalt  }
0x5f: {  	_ =	shalt  }
0x60: {  	_ =	shalt  }
0x61: {  	_ =	shalt  }
0x62: {  	_ =	shalt  }
0x63: {  	_ =	shalt  }
0x64: {  	_ =	shalt  }
0x65: {  	_ =	shalt  }
0x66: {  	_ =	shalt  }
0x67: {  	_ =	shalt  }
0x68: {  	_ =	shalt  }
0x69: {  	_ =	shalt  }
0x6a: {  	_ =	shalt  }
0x6b: {  	_ =	shalt  }
0x6c: {  	_ =	shalt  }
0x6d: {  	_ =	shalt  }
0x6e: {  	_ =	shalt  }
0x6f: {  	_ =	shalt  }
0x70: {  	_ =	shalt  }
0x71: {  	_ =	shalt  }
0x72: {  	_ =	shalt  }
0x73: {  	_ =	shalt  }
0x74: {  	_ =	shalt  }
0x75: {  	_ =	shalt  }
0x76: {  	_ =	shalt  }
0x77: {  	_ =	shalt  }
0x78: {  	_ =	shalt  }
0x79: {  	_ =	shalt  }
0x7a: {  	_ =	shalt  }
0x7b: {  	_ =	shalt  }
0x7c: {  	_ =	shalt  }
0x7d: {  	_ =	shalt  }
0x7e: {  	_ =	shalt  }
0x7f: {  	_ =	shalt  }
0x80: {  	_ =	shalt  }
0x81: {  	_ =	shalt  }
0x82: {  	_ =	shalt  }
0x83: {  	_ =	shalt  }
0x84: {  	_ =	shalt  }
0x85: {  	_ =	shalt  }
0x86: {  	_ =	shalt  }
0x87: {  	_ =	shalt  }
.Lfunc_end0:
.L_simem_size_0:
called_computation.2_lowered:
.L_overlay_start_0:
0x88: {  	s2 =	sld [smem:$0x3FD9]  }
0x89: {  	s3 =	sld [smem:$0x3FFE];
	_ =	sdelay $0x1  }
0x8a: {  	s1 =	srdreg.scid  }
0x8b: {  	s0 =	sand.u32 $0x1, s1  }
0x8c: {  	s16 =	sshll.u32 s0, $0xA;
	s2 =	sadd.s32 s3, s2  }
0x8d: {  	s2 =	sadd.s32 s2, s16  }
0x8e: {  	[smem:$0x3FC0] =	sst s2  }
0x8f: {  	_ = 	snop  }
0x90: {  	(tm) =	ssettm $0x1  }
0x91: {  	s17 =	sld [smem:$0x3FFB];
	_ =	sdelay $0x3  }
0x92: {  	_ =	strace s17  }
0x93: {  	s2 =	sld [smem:$0x3FFC];
	_ =	sdelay $0x3  }
0x94: {  	_ =	strace s2  }
0x95: {  	s2 =	sld [smem:$0x3FFD];
	_ =	sdelay $0x3  }
0x96: {  	_ =	strace s2  }
0x97: {  	_ =	strace $0x8FFFFFFF  }
0x98: {  	s18 =	sld [smem:$0x3FDB];
	_ =	sdelay $0x1  }
0x99: {  	s19 =	simm.s32 $_scs_section_size  }
0x9a: {  	s4 =	simm.s32 $_size__tile_overlayer_lowered;
	s5 =	simm.s32 $_tile_overlayer_lowered  }
0x9b: {  	s22 =	simm.s32 $0x1BFF;
	s21 =	sshll.u32 s5, $0x1;
	s2 =	sadd.s32 s19, s18  }
0x9c: {  	s6 =	simm.s32 $0x0;
	s20 =	sshll.u32 s4, $0x1;
	s4 =	sadd.s32 s21, s2  }
0x9d: {  	[timem:s6], [sflag:s22] =	dma.local [hbm:s4], s20  }
0x9e: {  	_ =	swait.ge [sflag:s22], s20  }
0x9f: {  	s3 =	ssub.s32 $0x0, s20;
	[sflag:s22] =	ssyncset.done $0x0  }
0xa0: {  	[sflag:s22] =	ssyncadd.s32 s3;
	_ =	sdelay $0x1  }
0xa1: {  	s23 =	simm.s32 $0x1B8B  }
0xa2: {  	_ =	swait.ge [sflag:s23], $0x1  }
0xa3: {  	[sflag:s23] =	ssyncset.done $0x0  }
0xa4: {  	s25 =	simm.s32 $0x1B8E;
	s24 =	sld [smem:$0x3FFE];
	[sflag:s23] =	ssyncadd.s32 $0xFFFFFFFF  }
0xa5: {  	s26 =	simm.s32 $execute0_lowered;
	[smem:$0x3FD2] =	sst s25  }
0xa6: {  	s4 =	sshll.u32 s26, $0x1;
	_ =	strace $0x8000004C;
	[dreg:$0x1] =	wrdreg $0xFFFFFFFF  }
0xa7: {  	s28 =	simm.s32 $_size_execute0_lowered;
	s2 =	sadd.s32 s2, s4;
	[dreg:$0x0] =	wrdreg $0x0  }
0xa8: {  	s4 =	sshll.u32 s28, $0x1;
	[dreg:$0x2] =	wrdreg s2  }
0xa9: {  	[dreg:$0x3] =	wrdreg s4  }
0xaa: {  	[dreg:$0x4] =	wrdreg $0xC0  }
0xab: {  	_ =	task [dreg:s6], $0x5FFFF  }
0xac: {  	[dreg:$0x1] =	wrdreg $0xFFFFFFFF  }
0xad: {  	[dreg:$0x0] =	wrdreg $0x60  }
0xae: {  	[dreg:$0x2] =	wrdreg s24  }
0xaf: {  	[dreg:$0x3] =	wrdreg $0xA0000  }
0xb0: {  	[dreg:$0x4] =	wrdreg $0x9  }
0xb1: {  	_ =	task.clear_ibuf [dreg:s6], $0x5FFFF;
	_ =	strace $0x9000004C  }
0xb2: {  	s29 =	simm.s32 $0x9;
	_ =	strace $0x8000004E  }
0xb3: {  	_ =	swait.ge [sflag:s29], $0x1  }
0xb4: {  	[sflag:s29] =	ssyncadd.s32 $0xFFFFFFFF  }
0xb5: {  	_ =	strace $0x9000004E  }
0xb6: {  	_ =	sfence  }
0xb7: {  	s30 =	sld [smem:$0x0];
	_ =	sdelay $0x2  }
0xb8: {  	s31 =	sshll.u32 s1, $0xD;
	s1 =	sshrl.u32 s1, $0x2  }
0xb9: {  	s3 =	sand.u32 $0x4000, s31;
	s1 =	sadd.s32 s1, s30  }
0xba: {  	s0 =	sor.u32 s3, s0;
	s1 =	sshll.u32 s1, $0x11  }
0xbb: {  	s0 =	sor.u32 s1, s0  }
0xbc: {  	s0 =	sadd.s32 $0x8F2B, s0  }
0xbd: {  	[sflag:s0] =	ssyncadd.remote.s32 $0x1  }
0xbe: {  	_ =	sfence.sel $0xFFFF  }
0xbf: {  	[dreg:$0x0] =	wrdreg $0xFFFFFFFF;
	(pc) =	sbr.abs _section_cstart, $3  }
0xc0: {  	[dreg:$0x1] =	wrdreg $0xFFFFFFFF  }
0xc1: {  	_ =	task.clear_ibuf [dreg:s6], $0x2FFFF;
	_ =	strace $0x9FFFFFFF  }
0xc2: {  	(tm) =	ssettm $0x7FFFFFFF  }
0xc3: {  	_ =	shalt  }
tec
execute0_lowered:
.L_overlay_start_1:
0x0: {  	(tag) =	ssettag $0x1  }
0x1: {  	s5 =	rddreg [dreg:$0x0]  }
0x2: {  	s0 =	srdreg.scid;
	s2 =	rddreg [dreg:$0x1];
	s3 =	simm.s32 $0x0  }
0x3: {  	s14 =	simm.s32 $0x80;
	s15 =	simm.s32 $0x6000;
	s16 =	simm.s32 $0x1  }
0x4: {  	s17 =	simm.s32 $0x0;
	s9 =	sand.u32 $0x1, s0;
	s0 =	stileid.u32  }
0x5: {  	[smem:$0x7FF] =	sst s3;
	s4 =	sadd.s32 $0x52600, s5;
	s7 =	smul.u32 $0x13C00, s0  }
0x6: {  	s1 =	sshll.u32 s9, $0x4;
	s8 =	smul.u32 $0x13C000, s9;
	s28 =	ssub.s32 $0x2, s9  }
0x7: {  	s11 =	smul.u32 $0x4F000, s0;
	s31 =	sshll.u32 s0, $0x6;
	s1 =	sor.u32 s0, s1  }
0x8: {  	p0 =	seq.s32 s9, $0x1;
	s29 =	sshrl.u32 s28, $0x1;
	s6 =	smul.u32 $0x600, s1  }
0x9: {  	s1 =	rddreg [dreg:$0x2];
	_ =	strace $0x8000004D;
	s26 =	sshrl.u32 s7, $0x3  }
0xa: {  	s7 =	sadd.s32 s7, s8;
	s13 =	ssub.s32 s28, s29;
	s30 =	sshrl.u32 s11, $0x2  }
.Ltmp0:
0xb: {  	s7 =	sshrl.u32 s7, $0x3;
	s11 =	sadd.s32 s30, s2;
	(pc) =	sbr.rel .LBB2_1-.Ltmp0, $4  }
0xc: {  	s10 =	sadd.s32 s6, s5;
	s6 =	sadd.s32 s26, s5;
	s12 =	sadd.s32 s7, s5  }
0xd: {  	s11 =	sshrl.u32 s11, $0x3;
	s5 =	sadd.s32 $0x3C00, s6;
	s6 =	sor.u32 $0x1C02, s31  }
0xe: {  	s7 =	sadd.s32 $0x7A400, s10;
	s8 =	sadd.s32 $0x86400, s10;
	s9 =	sadd.s32 $0x92400, s12  }
0xf: {  	s10 =	smax.u32 s13, $0x1;
	s12 =	simm.s32 $0x2;
	s13 =	simm.s32 $0x3000  }
.LBB2_7:
0x10: {  	s18 =	sshra.s32 s18, $0x2;
	[sflag:s12] =	ssyncadd.s32 $0xFFFFC000  }
0x11: {  	[tilespmem:s15], [sflag:$0x1] =	stream.indirect.gather [hbm4b:s4+s14], $0x80, s18, s14, $0xb8;
	[tilespmem:$0x1DC00] =	vst v63  }
0x12: {  	_ =	swait.ge [sflag:s16], $0x4000  }
0x13: {  	[sflag:s16] =	ssyncset.done $0x0  }
0x14: {  	s18 =	sadd.s32 $0x3000, s18;
	[sflag:s16] =	ssyncadd.s32 $0xFFFFC000  }
0x15: {  	[spmem:s2] =	stream.indirect.scatter.add.f32 [tilespmem:s15], [sflag:$0x2], $0x80, s18, s14, $0xb8;
	[tilespmem:$0x1DC00] =	vst v63  }
0x16: {  	_ =	swait.ge [sflag:s12], $0x4000  }
0x17: {  	[sflag:s12] =	ssyncset.done $0x0  }
0x18: {  	[sflag:s12] =	ssyncadd.s32 $0xFFFFC000  }
.LBB2_8:
0x19: {  	s17 =	sadd.s32 $0x1, s17  }
0x1a: {  	p1 =	sne.s32 s17, s10  }
.Ltmp1:
0x1b: {  	[bflag:$0x0] =	sbarrier.arrive $0xFFFF;
	(pc) =	sbr.rel @!p1 .LBB2_9-.Ltmp1, $4  }
0x1c: {  	[hbm:s9], [sflag:s6] =	dma.local [spmem:s11], $0x2780  }
0x1d: {  	_ =	swait.ge [sflag:s12], $0x2780  }
0x1e: {  	[sflag:s12] =	ssyncset.done $0x0  }
0x1f: {  	[sflag:s12] =	ssyncadd.s32 $0xFFFFD880  }
.LBB2_1:
0x20: {  	[spmem:s11], [sflag:s6] =	dma.local [hbm:s5], $0x2780  }
0x21: {  	_ =	swait.ge [sflag:s12], $0x2780  }
0x22: {  	[sflag:s12] =	ssyncset.done $0x0  }
0x23: {  	[sflag:s12] =	ssyncadd.s32 $0xFFFFD880  }
0x24: {  	[tilespmem:s3], [sflag:$0x2] =	stream.linear.gather [hbm4b:s7+s3], $0x2E00, $0x38;
	[tilespmem:$0x1DC00] =	vst v63  }
0x25: {  	_ =	swait.ge [sflag:s12], $0x2E00  }
0x26: {  	[sflag:s12] =	ssyncset.done $0x0  }
0x27: {  	[sflag:s12] =	ssyncadd.s32 $0xFFFFD200  }
0x28: {  	[tilespmem:s13], [sflag:$0x2] =	stream.linear.gather [hbm4b:s8+s3], $0x2E00, $0x38;
	[tilespmem:$0x1DC00] =	vst v63  }
.Ltmp2:
0x29: {  	_ =	swait.ge [sflag:s12], $0x2E00;
	(pc) =	sbr.rel @!p0 .LBB2_2-.Ltmp2, $4  }
0x2a: {  	[sflag:s12] =	ssyncset.done $0x0  }
0x2b: {  	[sflag:s12] =	ssyncadd.s32 $0xFFFFD200  }
0x2c: {  	[bflag:$0x0] =	sbarrier.arrive $0xFFFF  }
0x2d: {  	s18 =	simm.s32 $0x0  }
0x2e: {  	[tilespmem:s15], [sflag:$0x1] =	stream.indirect.gather [hbm4b:s4+s14], $0x80, s18, s14, $0xb8;
	[tilespmem:$0x1DC00] =	vst v63  }
0x2f: {  	_ =	swait.ge [sflag:s16], $0x4000  }
0x30: {  	[sflag:s16] =	ssyncset.done $0x0  }
0x31: {  	s31 =	simm.s32 $0x3000;
	[sflag:s16] =	ssyncadd.s32 $0xFFFFC000  }
0x32: {  	[spmem:s2] =	stream.indirect.scatter.add.f32 [tilespmem:s15], [sflag:$0x2], $0x80, s31, s14, $0xb8;
	[tilespmem:$0x1DC00] =	vst v63  }
0x33: {  	_ =	swait.ge [sflag:s12], $0x4000  }
0x34: {  	s18 =	simm.s32 $0x200;
	s19 =	simm.s32 $0x400;
	[sflag:s12] =	ssyncset.done $0x0  }
.LBB2_6:
0x35: {  	s20 =	sshra.s32 s18, $0x2  }
0x36: {  	[sflag:s12] =	ssyncadd.s32 $0xFFFFC000;
	s18 =	smov.u32 s19;
	s21 =	sadd.s32 $0x200, s19  }
0x37: {  	[tilespmem:s15], [sflag:$0x1] =	stream.indirect.gather [hbm4b:s4+s14], $0x80, s20, s14, $0xb8;
	[tilespmem:$0x1DC00] =	vst v63  }
0x38: {  	p1 =	sne.s32 s19, $0x8000;
	_ =	swait.ge [sflag:s16], $0x4000  }
.Ltmp3:
0x39: {  	[sflag:s16] =	ssyncset.done $0x0;
	(pc) =	sbr.rel @p1 .LBB2_6-.Ltmp3, $4  }
0x3a: {  	s19 =	sadd.s32 $0x3000, s20;
	[sflag:s16] =	ssyncadd.s32 $0xFFFFC000  }
0x3b: {  	[spmem:s2] =	stream.indirect.scatter.add.f32 [tilespmem:s15], [sflag:$0x2], $0x80, s19, s14, $0xb8;
	[tilespmem:$0x1DC00] =	vst v63  }
0x3c: {  	_ =	swait.ge [sflag:s12], $0x4000  }
0x3d: {  	s19 =	smov.u32 s21;
	[sflag:s12] =	ssyncset.done $0x0  }
.Ltmp4:
0x3e: {  	_ = 	snop;
	(pc) =	sbr.rel .LBB2_7-.Ltmp4, $1  }
0x3f: {  	_ =	sdelay $0x3  }
.LBB2_2:
0x40: {  	[tilespmem:s15], [sflag:$0x1] =	stream.indirect.gather [hbm4b:s4+s14], $0x80, s18, s14, $0xb8;
	[tilespmem:$0x1DC00] =	vst v63  }
0x41: {  	_ =	swait.ge [sflag:s16], $0x4000  }
0x42: {  	[sflag:s16] =	ssyncset.done $0x0  }
0x43: {  	s31 =	simm.s32 $0x3000;
	[sflag:s16] =	ssyncadd.s32 $0xFFFFC000  }
0x44: {  	[spmem:s2] =	stream.indirect.scatter.add.f32 [tilespmem:s15], [sflag:$0x2], $0x80, s31, s14, $0xb8;
	[tilespmem:$0x1DC00] =	vst v63  }
0x45: {  	_ =	swait.ge [sflag:s12], $0x4000  }
0x46: {  	s18 =	simm.s32 $0x200;
	s19 =	simm.s32 $0x400;
	[sflag:s12] =	ssyncset.done $0x0  }
.LBB2_3:
0x47: {  	s20 =	sshra.s32 s18, $0x2  }
0x48: {  	[sflag:s12] =	ssyncadd.s32 $0xFFFFC000;
	s18 =	smov.u32 s19;
	s21 =	sadd.s32 $0x200, s19  }
0x49: {  	[tilespmem:s15], [sflag:$0x1] =	stream.indirect.gather [hbm4b:s4+s14], $0x80, s20, s14, $0xb8;
	[tilespmem:$0x1DC00] =	vst v63  }
0x4a: {  	p1 =	seq.s32 s19, $0xB600;
	_ =	swait.ge [sflag:s16], $0x4000  }
.Ltmp5:
0x4b: {  	[sflag:s16] =	ssyncset.done $0x0;
	(pc) =	sbr.rel @!p1 .LBB2_3-.Ltmp5, $4  }
0x4c: {  	s19 =	sadd.s32 $0x3000, s20;
	[sflag:s16] =	ssyncadd.s32 $0xFFFFC000  }
0x4d: {  	[spmem:s2] =	stream.indirect.scatter.add.f32 [tilespmem:s15], [sflag:$0x2], $0x80, s19, s14, $0xb8;
	[tilespmem:$0x1DC00] =	vst v63  }
0x4e: {  	_ =	swait.ge [sflag:s12], $0x4000  }
0x4f: {  	s19 =	smov.u32 s21;
	[sflag:s12] =	ssyncset.done $0x0  }
0x50: {  	s18 =	sshra.s32 s18, $0x2;
	[sflag:s12] =	ssyncadd.s32 $0xFFFFC000  }
0x51: {  	[tilespmem:s15], [sflag:$0x1] =	stream.indirect.gather [hbm4b:s4+s14], $0x80, s18, s14, $0xb8;
	[tilespmem:$0x1DC00] =	vst v63  }
0x52: {  	_ =	swait.ge [sflag:s16], $0x4000  }
0x53: {  	[sflag:s16] =	ssyncset.done $0x0  }
.Ltmp6:
0x54: {  	s18 =	sadd.s32 $0x3000, s18;
	[sflag:s16] =	ssyncadd.s32 $0xFFFFC000;
	(pc) =	sbr.rel .LBB2_8-.Ltmp6, $4  }
0x55: {  	[spmem:s2] =	stream.indirect.scatter.add.f32 [tilespmem:s15], [sflag:$0x2], $0x80, s18, s14, $0xb8;
	[tilespmem:$0x1DC00] =	vst v63  }
0x56: {  	_ =	swait.ge [sflag:s12], $0x4000  }
0x57: {  	[sflag:s12] =	ssyncset.done $0x0  }
0x58: {  	[sflag:s12] =	ssyncadd.s32 $0xFFFFC000  }
.LBB2_9:
0x59: {  	_ =	sfence.sel $0x180000  }
0x5a: {  	[bflag:$0x0] =	sbarrier.arrive $0xFFFF  }
0x5b: {  	p0 =	sne.s32 s0, $0x0;
	_ =	strace $0x9000004D  }
0x5c: {  	s0 =	sadd.s32 @!p0 $0x100000, s1;
	[bflag:$0x2] =	sbarrier.arrive $0xFFFF  }
0x5d: {  	[sflag:s0] =	ssyncadd.tile.s32 @!p0 $0x1;
	_ =	shalt  }
.Lfunc_end2:
_tile_overlayer_lowered:
.L_overlay_start_2:
0x5e: {  	(tag) =	ssettag $0x2  }
0x5f: {  	s0 =	rddreg [dreg:$0x0];
	s2 =	stileid.u32  }
0x60: {  	s1 =	rddreg [dreg:$0x1];
	p0 =	sne.s32 s2, $0x0  }
0x61: {  	s3 =	rddreg [dreg:$0x2];
	[bflag:$0x3] =	sbarrier.arrive $0xFFFF;
	s2 =	simm.s32 @!p0 $0x1C02  }
0x62: {  	[timem:s3], [sflag:s2] =	dma.local @!p0 [hbm:s0], s1  }
0x63: {  	s0 =	simm.s32 @!p0 $0x2  }
0x64: {  	_ =	swait.ge @!p0 [sflag:s0], s1  }
0x65: {  	s1 =	ssub.s32 @!p0 $0x0, s1;
	[sflag:s0] =	ssyncset.done @!p0 $0x0  }
0x66: {  	[sflag:s0] =	ssyncadd.s32 @!p0 s1  }
0x67: {  	[bflag:$0x3] =	sbarrier.arrive $0xFFFF  }
0x68: {  	_ =	shalt  }

// kernel: kernel.8.cloned.1.call-start
scs
__scs_entry_jumppad:
0x0: {  	(pc) =	sbr.rel $0x88, $3  }
0x1: {  	(tag) =	ssettag $0x0;
	lr =	simm.s32 $0x1  }
0x2: {  	[smem:$0x3F99] =	sst lr;
	_ =	strace $0xD0000000  }
0x3: {  	_ = 	snop  }
0x4: {  	_ = 	snop  }
0x5: {  	_ = 	snop  }
0x6: {  	_ = 	snop  }
0x7: {  	_ = 	snop  }
__scs_overlays_trampoline_lowered:
0x8: {  	[smem:$0x3FA8] =	sst s0  }
0x9: {  	[smem:$0x3FA9] =	sst s1  }
0xa: {  	[smem:$0x3FAA] =	sst s2  }
0xb: {  	[smem:$0x3FAB] =	sst s3  }
0xc: {  	[smem:$0x3FAC] =	sst s4  }
0xd: {  	[smem:$0x3FAD] =	sst s5  }
0xe: {  	[smem:$0x3FAE] =	sst s6  }
0xf: {  	[smem:$0x3FAF] =	sst s7  }
0x10: {  	[smem:$0x3FB0] =	sst s8  }
0x11: {  	[smem:$0x3FB1] =	sst s9;
	s0 =	simm.s32 @!p0 $0x0  }
0x12: {  	s1 =	sld [smem:$0x3F97];
	s0 =	simm.s32 @p0 $0x1  }
0x13: {  	[smem:$0x3FB2] =	sst s0;
	s0 =	simm.s32 @!p1 $0x0  }
0x14: {  	s2 =	sld [smem:$0x3F96];
	s0 =	simm.s32 @p1 $0x1  }
0x15: {  	[smem:$0x3FB3] =	sst s0;
	s0 =	simm.s32 @!p2 $0x0  }
0x16: {  	s3 =	sld [smem:$0x3FDB];
	s0 =	simm.s32 @p2 $0x1  }
0x17: {  	s4 =	simm.s32 $0x1BF5;
	[smem:$0x3FB5] =	sst s0  }
0x18: {  	s0 =	sld [smem:$0x3F98];
	_ =	swait.ge [sflag:s4], $0x0  }
0x19: {  	s7 =	sld [smem:$0x3F99]  }
0x1a: {  	s8 =	sadd.s32 $0xFFFFE003, lr  }
0x1b: {  	s9 =	sadd.s32 $0xFFFFFEF7, lr;
	s5 =	simm.s32 $0xFFFFFFFF;
	p2 =	slt.u32 s8, $0xFFFFF086  }
0x1c: {  	p1 =	slt.u32 s9, $0xF7A;
	s5 =	simm.s32 @!p2 $0x0  }
0x1d: {  	s5 =	simm.s32 @p1 $0x1;
	p0 =	seq.s32 s7, s2  }
0x1e: {  	s7 =	smul.u32 @!p0 $0xF7A, s2;
	p2 =	seq.s32 @!p0 s5, $0x0  }
0x1f: {  	s9 =	smul.u32 $0xF7A, s1;
	s8 =	simm.s32 @!p0 $0x1BF5;
	p2 =	por !p2, p0  }
0x20: {  	[sflag:s8] =	ssyncset.s32 @!p0 $0xFFFFF086;
	s6 =	sadd.s32 @!p0 s3, s7;
	s7 =	simm.s32 @!p0 $0x108  }
0x21: {  	s3 =	sadd.s32 s3, s9;
	s6 =	sadd.s32 @!p0 $0x88, s6;
	s7 =	simm.s32 @p2 $0x1082  }
0x22: {  	[simem:s7], [sflag:s8] =	dma.local @!p0 [hbm:s6], $0xF7A  }
0x23: {  	s9 =	sor.u32 $0xD0000000, s2;
	s6 =	simm.s32 $0x108;
	_ =	swait.ge @!p0 [sflag:s8], $0x0  }
0x24: {  	s3 =	sadd.s32 $0x88, s3;
	s6 =	simm.s32 @!p1 $0x1082;
	[sflag:s4] =	ssyncset.s32 $0xFFFFF086  }
0x25: {  	[simem:s6], [sflag:s4] =	dma.local [hbm:s3], $0xF7A  }
0x26: {  	[smem:$0x3F99] =	sst s1;
	(tag) =	ssettag s2;
	_ =	strace s9  }
0x27: {  	s1 =	sld [smem:$0x3FA9]  }
0x28: {  	s2 =	sld [smem:$0x3FAA]  }
0x29: {  	s4 =	sld [smem:$0x3FAC]  }
0x2a: {  	p0 =	seq.s32 s5, $0x0;
	s5 =	sld [smem:$0x3FAD]  }
0x2b: {  	s6 =	sld [smem:$0x3FAE]  }
0x2c: {  	s7 =	sld [smem:$0x3FAF]  }
0x2d: {  	s3 =	simm.s32 $0x108;
	s8 =	sld [smem:$0x3FB0]  }
0x2e: {  	s3 =	simm.s32 @!p0 $0x1082;
	s9 =	sld [smem:$0x3FB1]  }
0x2f: {  	lr =	sadd.s32 s0, s3;
	s0 =	sld [smem:$0x3FA8]  }
0x30: {  	s3 =	sld [smem:$0x3FAB]  }
0x31: {  	[smem:$0x3FB4] =	sst s10  }
0x32: {  	s10 =	sld [smem:$0x3FB2];
	_ =	sdelay $0x3  }
0x33: {  	p0 =	seq.s32 s10, $0x1;
	s10 =	sld [smem:$0x3FB4];
	_ =	sdelay $0x3  }
0x34: {  	[smem:$0x3FB4] =	sst s10  }
0x35: {  	s10 =	sld [smem:$0x3FB3];
	_ =	sdelay $0x3  }
0x36: {  	p1 =	seq.s32 s10, $0x1;
	s10 =	sld [smem:$0x3FB4];
	_ =	sdelay $0x3  }
0x37: {  	[smem:$0x3FB4] =	sst s10  }
0x38: {  	s10 =	sld [smem:$0x3FB5]  }
0x39: {  	_ = 	snop;
	(pc) =	sbr.ind lr, $3  }
0x3a: {  	_ = 	snop  }
0x3b: {  	_ = 	snop  }
0x3c: {  	p2 =	seq.s32 s10, $0x1;
	s10 =	sld [smem:$0x3FB4]  }
0x3d: {  	_ =	shalt  }
0x3e: {  	_ =	shalt  }
0x3f: {  	_ =	shalt  }
0x40: {  	_ =	shalt  }
0x41: {  	_ =	shalt  }
0x42: {  	_ =	shalt  }
0x43: {  	_ =	shalt  }
0x44: {  	_ =	shalt  }
0x45: {  	_ =	shalt  }
0x46: {  	_ =	shalt  }
0x47: {  	_ =	shalt  }
0x48: {  	_ =	shalt  }
0x49: {  	_ =	shalt  }
0x4a: {  	_ =	shalt  }
0x4b: {  	_ =	shalt  }
0x4c: {  	_ =	shalt  }
0x4d: {  	_ =	shalt  }
0x4e: {  	_ =	shalt  }
0x4f: {  	_ =	shalt  }
0x50: {  	_ =	shalt  }
0x51: {  	_ =	shalt  }
0x52: {  	_ =	shalt  }
0x53: {  	_ =	shalt  }
0x54: {  	_ =	shalt  }
0x55: {  	_ =	shalt  }
0x56: {  	_ =	shalt  }
0x57: {  	_ =	shalt  }
0x58: {  	_ =	shalt  }
0x59: {  	_ =	shalt  }
0x5a: {  	_ =	shalt  }
0x5b: {  	_ =	shalt  }
0x5c: {  	_ =	shalt  }
0x5d: {  	_ =	shalt  }
0x5e: {  	_ =	shalt  }
0x5f: {  	_ =	shalt  }
0x60: {  	_ =	shalt  }
0x61: {  	_ =	shalt  }
0x62: {  	_ =	shalt  }
0x63: {  	_ =	shalt  }
0x64: {  	_ =	shalt  }
0x65: {  	_ =	shalt  }
0x66: {  	_ =	shalt  }
0x67: {  	_ =	shalt  }
0x68: {  	_ =	shalt  }
0x69: {  	_ =	shalt  }
0x6a: {  	_ =	shalt  }
0x6b: {  	_ =	shalt  }
0x6c: {  	_ =	shalt  }
0x6d: {  	_ =	shalt  }
0x6e: {  	_ =	shalt  }
0x6f: {  	_ =	shalt  }
0x70: {  	_ =	shalt  }
0x71: {  	_ =	shalt  }
0x72: {  	_ =	shalt  }
0x73: {  	_ =	shalt  }
0x74: {  	_ =	shalt  }
0x75: {  	_ =	shalt  }
0x76: {  	_ =	shalt  }
0x77: {  	_ =	shalt  }
0x78: {  	_ =	shalt  }
0x79: {  	_ =	shalt  }
0x7a: {  	_ =	shalt  }
0x7b: {  	_ =	shalt  }
0x7c: {  	_ =	shalt  }
0x7d: {  	_ =	shalt  }
0x7e: {  	_ =	shalt  }
0x7f: {  	_ =	shalt  }
0x80: {  	_ =	shalt  }
0x81: {  	_ =	shalt  }
0x82: {  	_ =	shalt  }
0x83: {  	_ =	shalt  }
0x84: {  	_ =	shalt  }
0x85: {  	_ =	shalt  }
0x86: {  	_ =	shalt  }
0x87: {  	_ =	shalt  }
.Lfunc_end0:
.L_simem_size_0:
called_computation_lowered:
.L_overlay_start_0:
0x88: {  	s2 =	sld [smem:$0x3FD9]  }
0x89: {  	s3 =	sld [smem:$0x3FFE];
	_ =	sdelay $0x1  }
0x8a: {  	s1 =	srdreg.scid  }
0x8b: {  	s0 =	sand.u32 $0x1, s1  }
0x8c: {  	s14 =	sshll.u32 s0, $0xA;
	s2 =	sadd.s32 s3, s2  }
0x8d: {  	s2 =	sadd.s32 s2, s14  }
0x8e: {  	[smem:$0x3FC0] =	sst s2  }
0x8f: {  	_ = 	snop  }
0x90: {  	s2 =	sld [smem:$0x3FD0];
	_ =	sdelay $0x2  }
0x91: {  	s15 =	simm.s32 $0xA;
	s4 =	simm.s32 $0x10  }
0x92: {  	[smem:s4], [sflag:s15] =	dma.local [hbm:s2], $0x1  }
0x93: {  	_ =	swait.eq [sflag:s15], $0x1  }
0x94: {  	[sflag:s15] =	ssyncset.done $0x0  }
0x95: {  	s16 =	sld [smem:$0x10];
	[sflag:s15] =	ssyncadd.s32 $0xFFFFFFFF  }
0x96: {  	s17 =	sld [smem:$0x11];
	(tm) =	ssettm $0x1  }
0x97: {  	s18 =	sld [smem:$0x3FFB];
	_ =	sdelay $0x3  }
0x98: {  	_ =	strace s18  }
0x99: {  	s4 =	sld [smem:$0x3FFC];
	_ =	sdelay $0x3  }
0x9a: {  	_ =	strace s4  }
0x9b: {  	s4 =	sld [smem:$0x3FFD];
	_ =	sdelay $0x3  }
0x9c: {  	_ =	strace s4  }
0x9d: {  	_ =	strace $0x8FFFFFFF  }
0x9e: {  	s19 =	sld [smem:$0x3FDB];
	_ =	sdelay $0x1  }
0x9f: {  	s5 =	simm.s32 $_scs_section_size  }
0xa0: {  	s6 =	simm.s32 $_size__tile_overlayer_lowered;
	s7 =	simm.s32 $_tile_overlayer_lowered  }
0xa1: {  	s22 =	simm.s32 $0x1BFF;
	s21 =	sshll.u32 s7, $0x1;
	s4 =	sadd.s32 s5, s19  }
0xa2: {  	s8 =	simm.s32 $0x0;
	s20 =	sshll.u32 s6, $0x1;
	s6 =	sadd.s32 s21, s4  }
0xa3: {  	[timem:s8], [sflag:s22] =	dma.local [hbm:s6], s20  }
0xa4: {  	_ =	swait.ge [sflag:s22], s20  }
0xa5: {  	s5 =	ssub.s32 $0x0, s20;
	[sflag:s22] =	ssyncset.done $0x0  }
0xa6: {  	[sflag:s22] =	ssyncadd.s32 s5;
	_ =	sdelay $0x1  }
0xa7: {  	s23 =	simm.s32 $0x1B8B  }
0xa8: {  	_ =	swait.ge [sflag:s23], $0x1  }
0xa9: {  	[sflag:s23] =	ssyncset.done $0x0  }
0xaa: {  	s25 =	simm.s32 $0x1B8E;
	s24 =	sld [smem:$0x3FFE];
	[sflag:s23] =	ssyncadd.s32 $0xFFFFFFFF  }
0xab: {  	s26 =	simm.s32 $execute0_lowered;
	[smem:$0x3FD2] =	sst s25  }
0xac: {  	s6 =	sshll.u32 s26, $0x1;
	_ =	strace $0x80000046;
	[dreg:$0x1] =	wrdreg $0xFFFFFFFF  }
0xad: {  	s28 =	simm.s32 $_size_execute0_lowered;
	s4 =	sadd.s32 s4, s6;
	[dreg:$0x0] =	wrdreg $0x0  }
0xae: {  	s6 =	sshll.u32 s28, $0x1;
	[dreg:$0x2] =	wrdreg s4  }
0xaf: {  	[dreg:$0x3] =	wrdreg s6  }
0xb0: {  	[dreg:$0x4] =	wrdreg $0xC0  }
0xb1: {  	_ =	task [dreg:s8], $0x5FFFF  }
0xb2: {  	[dreg:$0x1] =	wrdreg $0xFFFFFFFF  }
0xb3: {  	[dreg:$0x0] =	wrdreg $0x60  }
0xb4: {  	[dreg:$0x2] =	wrdreg s17  }
0xb5: {  	[dreg:$0x3] =	wrdreg s24  }
0xb6: {  	[dreg:$0x4] =	wrdreg s16  }
0xb7: {  	[dreg:$0x5] =	wrdreg $0x68000  }
0xb8: {  	[dreg:$0x6] =	wrdreg $0x9  }
0xb9: {  	_ =	task.clear_ibuf [dreg:s8], $0x7FFFF;
	_ =	strace $0x90000046  }
0xba: {  	s29 =	simm.s32 $0x9;
	_ =	strace $0x80000048  }
0xbb: {  	_ =	swait.ge [sflag:s29], $0x1  }
0xbc: {  	[sflag:s29] =	ssyncadd.s32 $0xFFFFFFFF  }
0xbd: {  	_ =	strace $0x90000048  }
0xbe: {  	_ =	sfence  }
0xbf: {  	s30 =	sld [smem:$0x0];
	_ =	sdelay $0x2  }
0xc0: {  	s31 =	sshll.u32 s1, $0xD;
	s1 =	sshrl.u32 s1, $0x2  }
0xc1: {  	s3 =	sand.u32 $0x4000, s31;
	s1 =	sadd.s32 s1, s30  }
0xc2: {  	s0 =	sor.u32 s3, s0;
	s1 =	sshll.u32 s1, $0x11  }
0xc3: {  	s0 =	sor.u32 s1, s0  }
0xc4: {  	s0 =	sadd.s32 $0x8F2B, s0  }
0xc5: {  	[sflag:s0] =	ssyncadd.remote.s32 $0x1  }
0xc6: {  	_ =	sfence.sel $0xFFFF  }
0xc7: {  	[dreg:$0x0] =	wrdreg $0xFFFFFFFF;
	(pc) =	sbr.abs _section_cstart, $3  }
0xc8: {  	[dreg:$0x1] =	wrdreg $0xFFFFFFFF  }
0xc9: {  	_ =	task.clear_ibuf [dreg:s8], $0x2FFFF;
	_ =	strace $0x9FFFFFFF  }
0xca: {  	(tm) =	ssettm $0x7FFFFFFF  }
0xcb: {  	_ =	shalt  }
tec
execute0_lowered:
.L_overlay_start_1:
0x0: {  	(tag) =	ssettag $0x1  }
0x1: {  	s7 =	rddreg [dreg:$0x0]  }
0x2: {  	s5 =	rddreg [dreg:$0x1];
	s0 =	stileid.u32  }
0x3: {  	s1 =	srdreg.scid;
	s2 =	rddreg [dreg:$0x2]  }
0x4: {  	s3 =	rddreg [dreg:$0x3];
	s4 =	simm.s32 $0x0;
	s13 =	simm.s32 $0x80  }
0x5: {  	s6 =	smul.u32 $0x13C00, s0;
	s8 =	sand.u32 $0x1, s1;
	s1 =	rddreg [dreg:$0x4]  }
0x6: {  	s14 =	simm.s32 $0x0;
	[smem:$0x7FF] =	sst s4;
	s11 =	smul.u32 $0x4F000, s0  }
0x7: {  	s31 =	sshll.u32 s0, $0x6;
	s9 =	smul.u32 $0x13C000, s8;
	_ =	strace $0x80000047  }
0x8: {  	s26 =	ssub.s32 $0x2, s8;
	s8 =	sshll.u32 s8, $0x4;
	s10 =	sshrl.u32 s6, $0x3  }
0x9: {  	s28 =	sshrl.u32 s26, $0x1;
	s29 =	sor.u32 s0, s8;
	s30 =	sshrl.u32 s11, $0x2  }
0xa: {  	s6 =	sadd.s32 s6, s9;
	s25 =	sadd.s32 s10, s5;
	s10 =	ssub.s32 s26, s28  }
0xb: {  	s8 =	smul.u32 $0x500, s29;
	s11 =	sadd.s32 s30, s3;
	s6 =	sshrl.u32 s6, $0x3  }
0xc: {  	s9 =	smax.u32 s10, $0x1;
	s10 =	sshrl.u32 s11, $0x3;
	s11 =	simm.s32 $0x1  }
0xd: {  	s12 =	sadd.s32 s6, s5;
	s5 =	sadd.s32 $0x3C00, s25;
	s6 =	sor.u32 $0x1C01, s31  }
0xe: {  	s7 =	sadd.s32 s7, s8;
	s8 =	sadd.s32 $0x2B400, s12;
	s12 =	simm.s32 $0x2800  }
.LBB2_1:
0xf: {  	[spmem:s10], [sflag:s6] =	dma.local [hbm:s5], $0x2780  }
0x10: {  	_ =	swait.ge [sflag:s11], $0x2780  }
0x11: {  	[sflag:s11] =	ssyncset.done $0x0  }
0x12: {  	[sflag:s11] =	ssyncadd.s32 $0xFFFFD880  }
0x13: {  	[tilespmem:s4], [sflag:$0x1] =	stream.linear.gather [hbm4b:s7+s4], $0x2780, $0x38;
	[tilespmem:$0x1A400] =	vst v63  }
0x14: {  	_ =	swait.ge [sflag:s11], $0x2780  }
0x15: {  	[sflag:s11] =	ssyncset.done $0x0  }
0x16: {  	[sflag:s11] =	ssyncadd.s32 $0xFFFFD880  }
0x17: {  	[tilespmem:s12], [sflag:$0x1] =	stream.linear.gather [hbm4b:s2+s4], $0x4000, $0x38;
	[tilespmem:$0x1A400] =	vst v63  }
0x18: {  	_ =	swait.ge [sflag:s11], $0x4000  }
0x19: {  	[sflag:s11] =	ssyncset.done $0x0  }
0x1a: {  	[sflag:s11] =	ssyncadd.s32 $0xFFFFC000  }
0x1b: {  	s15 =	simm.s32 $0x0;
	[bflag:$0x0] =	sbarrier.arrive $0xFFFF  }
0x1c: {  	[spmem:s3] =	stream.indirect.scatter.add.f32 [tilespmem:s12], [sflag:$0x1], $0x80, s15, s13, $0xb8;
	[tilespmem:$0x1A400] =	vst v63  }
0x1d: {  	_ =	swait.ge [sflag:s11], $0x4000  }
0x1e: {  	s15 =	simm.s32 $0x200;
	[sflag:s11] =	ssyncset.done $0x0  }
.LBB2_2:
0x1f: {  	s16 =	sshra.s32 s15, $0x2;
	[sflag:s11] =	ssyncadd.s32 $0xFFFFC000;
	p0 =	sne.s32 s15, $0x9C00  }
0x20: {  	[spmem:s3] =	stream.indirect.scatter.add.f32 [tilespmem:s12], [sflag:$0x1], $0x80, s16, s13, $0xb8;
	[tilespmem:$0x1A400] =	vst v63  }
.Ltmp0:
0x21: {  	_ = 	snop;
	(pc) =	sbr.rel @p0 .LBB2_2-.Ltmp0, $4  }
0x22: {  	_ = 	snop  }
0x23: {  	s15 =	sadd.s32 $0x200, s15  }
0x24: {  	_ =	swait.ge [sflag:s11], $0x4000  }
0x25: {  	[sflag:s11] =	ssyncset.done $0x0  }
0x26: {  	s14 =	sadd.s32 $0x1, s14  }
0x27: {  	[sflag:s11] =	ssyncadd.s32 $0xFFFFC000;
	p0 =	sne.s32 s14, s9  }
.Ltmp1:
0x28: {  	[bflag:$0x0] =	sbarrier.arrive $0xFFFF;
	(pc) =	sbr.rel @p0 .LBB2_1-.Ltmp1, $4  }
0x29: {  	[hbm:s8], [sflag:s6] =	dma.local [spmem:s10], $0x2780  }
0x2a: {  	_ =	swait.ge [sflag:s11], $0x2780  }
0x2b: {  	[sflag:s11] =	ssyncset.done $0x0  }
0x2c: {  	[sflag:s11] =	ssyncadd.s32 $0xFFFFD880  }
0x2d: {  	_ =	sfence.sel $0x180000  }
0x2e: {  	[bflag:$0x0] =	sbarrier.arrive $0xFFFF  }
0x2f: {  	p0 =	sne.s32 s0, $0x0;
	_ =	strace $0x90000047  }
0x30: {  	s0 =	sadd.s32 @!p0 $0x100000, s1;
	[bflag:$0x2] =	sbarrier.arrive $0xFFFF  }
0x31: {  	[sflag:s0] =	ssyncadd.tile.s32 @!p0 $0x1;
	_ =	shalt  }
.Lfunc_end2:
_tile_overlayer_lowered:
.L_overlay_start_2:
0x32: {  	(tag) =	ssettag $0x2  }
0x33: {  	s0 =	rddreg [dreg:$0x0];
	s2 =	stileid.u32  }
0x34: {  	s1 =	rddreg [dreg:$0x1];
	p0 =	sne.s32 s2, $0x0  }
0x35: {  	s3 =	rddreg [dreg:$0x2];
	[bflag:$0x3] =	sbarrier.arrive $0xFFFF;
	s2 =	simm.s32 @!p0 $0x1C01  }
0x36: {  	[timem:s3], [sflag:s2] =	dma.local @!p0 [hbm:s0], s1  }
0x37: {  	s0 =	simm.s32 @!p0 $0x1  }
0x38: {  	_ =	swait.ge @!p0 [sflag:s0], s1  }
0x39: {  	s1 =	ssub.s32 @!p0 $0x0, s1;
	[sflag:s0] =	ssyncset.done @!p0 $0x0  }
0x3a: {  	[sflag:s0] =	ssyncadd.s32 @!p0 s1  }
0x3b: {  	[bflag:$0x3] =	sbarrier.arrive $0xFFFF  }
0x3c: {  	_ =	shalt  }

</sc_bundles>
